<compile_context>
chip_gen: v7x
topology: tpu7x:2x2x1
jax: 0.10.2.dev20260603
libtpu: 0.0.44.dev20260713+nightly
codegen_flags: <defaults>
</compile_context>

<pallas_src>
import functools

import jax
import jax.numpy as jnp
from jax import lax
from jax.experimental import pallas as pl
from jax.experimental.pallas import tpu as pltpu
from jax.experimental.pallas import tpu_sc as plsc

VOCAB = 1000000
EMBED = 64
BATCH = 16384

NUM_CORES = 2
NUM_SUBCORES = 16
LANES = 16
NW = NUM_CORES * NUM_SUBCORES
B_PER_W = BATCH // NW
BLOCKS = B_PER_W // LANES

_LN2 = 0.6931471805599453
_SQRT2 = 1.4142135623730951


def _log_f32(s):
    i = plsc.bitcast(s, jnp.int32)
    e = (i >> 23) - 127
    m = plsc.bitcast((i & 0x007FFFFF) | 0x3F800000, jnp.float32)
    adj = m > _SQRT2
    m = jnp.where(adj, m * 0.5, m)
    e = (e + adj.astype(jnp.int32)).astype(jnp.float32)
    t = (m - 1.0) / (m + 1.0)
    t2 = t * t
    log_m = 2.0 * t * (1.0 + t2 * (1.0 / 3.0 + t2 * (0.2 + t2 * (1.0 / 7.0))))
    return e * _LN2 + log_m


def _log_softmax_inplace(rows_ref):

    def block_body(blk, _):
        iv = blk * LANES + lax.iota(jnp.int32, LANES)

        def col(c):
            ic = jnp.full((LANES,), c, jnp.int32)
            return ic, plsc.load_gather(rows_ref, [iv, ic])

        def max_body(c, mx):
            _, g = col(c)
            return jnp.maximum(mx, g)

        mx = lax.fori_loop(1, EMBED, max_body, col(0)[1], unroll=4)

        def sum_body(c, s):
            _, g = col(c)
            return s + jnp.exp(g - mx)

        s = lax.fori_loop(0, EMBED, sum_body, jnp.zeros((LANES,), jnp.float32),
                          unroll=4)
        lse = mx + _log_f32(s)

        def out_body(c, carry):
            ic, g = col(c)
            plsc.store_scatter(rows_ref, [iv, ic], g - lse)
            return carry

        lax.fori_loop(0, EMBED, out_body, 0, unroll=4)
        return _

    lax.fori_loop(0, BLOCKS, block_body, 0)


def _sc_body(tgt_hbm, ctx_hbm, ttab_hbm, ctab_hbm, out_t_hbm, out_c_hbm,
             idx_t, idx_c, rows_t, rows_c, sem_t, sem_c, sem_wt, sem_wc):
    wid = lax.axis_index("s") * NUM_CORES + lax.axis_index("c")
    base = wid * B_PER_W

    pltpu.sync_copy(tgt_hbm.at[pl.ds(base, B_PER_W)], idx_t)
    pltpu.sync_copy(ctx_hbm.at[pl.ds(base, B_PER_W)], idx_c)
    gather_t = pltpu.async_copy(ttab_hbm.at[idx_t], rows_t, sem_t)
    gather_c = pltpu.async_copy(ctab_hbm.at[idx_c], rows_c, sem_c)

    gather_t.wait()
    _log_softmax_inplace(rows_t)
    wb_t = pltpu.async_copy(rows_t, out_t_hbm.at[pl.ds(base, B_PER_W)], sem_wt)

    gather_c.wait()
    _log_softmax_inplace(rows_c)
    wb_c = pltpu.async_copy(rows_c, out_c_hbm.at[pl.ds(base, B_PER_W)], sem_wc)

    wb_t.wait()
    wb_c.wait()


@jax.jit
def _skipgram_sc(target, context, target_table, context_table):
    mesh = plsc.VectorSubcoreMesh(core_axis_name="c", subcore_axis_name="s")
    return pl.kernel(
        _sc_body,
        out_type=(
            jax.ShapeDtypeStruct((BATCH, EMBED), jnp.float32),
            jax.ShapeDtypeStruct((BATCH, EMBED), jnp.float32),
        ),
        mesh=mesh,
        compiler_params=pltpu.CompilerParams(
            needs_layout_passes=False, use_tc_tiling_on_sc=False),
        scratch_types=[
            pltpu.VMEM((B_PER_W,), jnp.int32),
            pltpu.VMEM((B_PER_W,), jnp.int32),
            pltpu.VMEM((B_PER_W, EMBED), jnp.float32),
            pltpu.VMEM((B_PER_W, EMBED), jnp.float32),
            pltpu.SemaphoreType.DMA,
            pltpu.SemaphoreType.DMA,
            pltpu.SemaphoreType.DMA,
            pltpu.SemaphoreType.DMA,
        ],
    )(target, context, target_table, context_table)


def kernel(target, context, target_table, context_table):
    return _skipgram_sc(target, context, target_table, context_table)

# --- scband reference (transcript-rebuilt; emitter-appended) ---
"""Pipeline reference for scband-skip-gram-17549236371589 (READ-ONLY COPY).

The authoritative reference and input builder live on the scoring server;
editing this copy changes nothing except your own understanding.
"""

import jax, jax.numpy as jnp
import numpy as np

VOCAB = 1000000
EMBED = 64
BATCH = 16384

def setup_inputs(seed: int = 0) -> dict:
    key = jax.random.key(seed)
    k1, k2, k3, k4 = jax.random.split(key, 4)
    target = jax.random.randint(k1, (BATCH,), 0, VOCAB, dtype=jnp.int64 if jax.config.jax_enable_x64 else jnp.int32).astype(jnp.int32)
    context = jax.random.randint(k2, (BATCH,), 0, VOCAB, dtype=jnp.int32)
    target_table = jax.random.normal(k3, (VOCAB, EMBED), dtype=jnp.float32)
    context_table = jax.random.normal(k4, (VOCAB, EMBED), dtype=jnp.float32)
    return {"target": target, "context": context, "target_table": target_table, "context_table": context_table}

def _log_softmax(x, axis):
    m = jnp.max(x, axis=axis, keepdims=True)
    shifted = x - jax.lax.stop_gradient(m)
    return shifted - jnp.log(jnp.sum(jnp.exp(shifted), axis=axis, keepdims=True))

def reference(target, context, target_table, context_table):
    # embedding lookups (gather)
    target_embeds = jnp.take(target_table, target, axis=0)
    context_embeds = jnp.take(context_table, context, axis=0)
    # LogSoftmax over dim=1 (embedding dimension)
    target_embeds = _log_softmax(target_embeds, axis=1)
    context_embeds = _log_softmax(context_embeds, axis=1)
    return (target_embeds, context_embeds)

if __name__ == "__main__":
    import jax
    _d = setup_inputs()
    print(jax.jit(kernel)(*tuple(_d.values())))

</pallas_src>

<mosaic_0001>
#map = affine_map<(d0, d1) -> (0)>
#map1 = affine_map<(d0, d1) -> (0, 0)>
module attributes {stable_mosaic.version = 14 : i64} {
  func.func @_sc_body(%arg0: i32, %arg1: i32, %arg2: memref<16384xi32, #tpu.memory_space<hbm>>, %arg3: memref<16384xi32, #tpu.memory_space<hbm>>, %arg4: memref<1000000x64xf32, #tpu.memory_space<hbm>>, %arg5: memref<1000000x64xf32, #tpu.memory_space<hbm>>, %arg6: memref<16384x64xf32, #tpu.memory_space<hbm>>, %arg7: memref<16384x64xf32, #tpu.memory_space<hbm>>, %arg8: memref<512xi32, #tpu.memory_space<vmem>>, %arg9: memref<512xi32, #tpu.memory_space<vmem>>, %arg10: memref<512x64xf32, #tpu.memory_space<vmem>>, %arg11: memref<512x64xf32, #tpu.memory_space<vmem>>, %arg12: memref<!tpu.dma_semaphore, #tpu.memory_space<semaphore_mem>>, %arg13: memref<!tpu.dma_semaphore, #tpu.memory_space<semaphore_mem>>, %arg14: memref<!tpu.dma_semaphore, #tpu.memory_space<semaphore_mem>>, %arg15: memref<!tpu.dma_semaphore, #tpu.memory_space<semaphore_mem>>) attributes {dimension_semantics = [#tpu.dimension_semantics<core_parallel>, #tpu.dimension_semantics<subcore_parallel>], iteration_bounds = array<i64: 2, 16>, scalar_prefetch = 0 : i64, scratch_operands = 8 : i64, tpu.core_type = #tpu.core_type<sc_vector_subcore>, window_params = [{transform_indices = #map}, {transform_indices = #map}, {transform_indices = #map1}, {transform_indices = #map1}, {transform_indices = #map1}, {transform_indices = #map1}]} {
    %mul3A = arith.constant 2 : i32
    %mul3A_0 = arith.muli %arg1, %mul3A : i32
    %add3A = arith.addi %mul3A_0, %arg0 : i32
    %mul3A_1 = arith.constant 512 : i32
    %mul3A_2 = arith.muli %add3A, %mul3A_1 : i32
    "tpu.region"() ({
      %run_scoped3A = tpu.sem_alloc : memref<!tpu.dma_semaphore, #tpu.memory_space<semaphore_mem>>
      %dma_start3A_40 = tpu.memref_slice %arg2[%mul3A_2] : memref<16384xi32, #tpu.memory_space<hbm>> -> memref<512xi32, #tpu.memory_space<hbm>>
      %dma_start3A_41 = tpu.memref_slice %arg2[%mul3A_2] : memref<16384xi32, #tpu.memory_space<hbm>> -> memref<512xi32, #tpu.memory_space<hbm>>
      tpu.enqueue_dma source(%dma_start3A_41 : memref<512xi32, #tpu.memory_space<hbm>>) target(%arg8 : memref<512xi32, #tpu.memory_space<vmem>>) target_semaphore(%run_scoped3A : memref<!tpu.dma_semaphore, #tpu.memory_space<semaphore_mem>>)
      %dma_wait3A_42 = tpu.memref_slice %arg2[%mul3A_2] : memref<16384xi32, #tpu.memory_space<hbm>> -> memref<512xi32, #tpu.memory_space<hbm>>
      %dma_wait3A_43 = tpu.memref_slice %arg2[%mul3A_2] : memref<16384xi32, #tpu.memory_space<hbm>> -> memref<512xi32, #tpu.memory_space<hbm>>
      tpu.wait_dma2 semaphore(%run_scoped3A : memref<!tpu.dma_semaphore, #tpu.memory_space<semaphore_mem>>) src(%dma_wait3A_43 : memref<512xi32, #tpu.memory_space<hbm>>) dst(%arg8 : memref<512xi32, #tpu.memory_space<vmem>>)
      tpu.yield
    }) : () -> ()
    "tpu.region"() ({
      %run_scoped3A = tpu.sem_alloc : memref<!tpu.dma_semaphore, #tpu.memory_space<semaphore_mem>>
      %dma_start3A_40 = tpu.memref_slice %arg3[%mul3A_2] : memref<16384xi32, #tpu.memory_space<hbm>> -> memref<512xi32, #tpu.memory_space<hbm>>
      %dma_start3A_41 = tpu.memref_slice %arg3[%mul3A_2] : memref<16384xi32, #tpu.memory_space<hbm>> -> memref<512xi32, #tpu.memory_space<hbm>>
      tpu.enqueue_dma source(%dma_start3A_41 : memref<512xi32, #tpu.memory_space<hbm>>) target(%arg9 : memref<512xi32, #tpu.memory_space<vmem>>) target_semaphore(%run_scoped3A : memref<!tpu.dma_semaphore, #tpu.memory_space<semaphore_mem>>)
      %dma_wait3A_42 = tpu.memref_slice %arg3[%mul3A_2] : memref<16384xi32, #tpu.memory_space<hbm>> -> memref<512xi32, #tpu.memory_space<hbm>>
      %dma_wait3A_43 = tpu.memref_slice %arg3[%mul3A_2] : memref<16384xi32, #tpu.memory_space<hbm>> -> memref<512xi32, #tpu.memory_space<hbm>>
      tpu.wait_dma2 semaphore(%run_scoped3A : memref<!tpu.dma_semaphore, #tpu.memory_space<semaphore_mem>>) src(%dma_wait3A_43 : memref<512xi32, #tpu.memory_space<hbm>>) dst(%arg9 : memref<512xi32, #tpu.memory_space<vmem>>)
      tpu.yield
    }) : () -> ()
    %dma_start3A = arith.constant 0 : i32
    %dma_start3A_3 = arith.constant 0 : i32
    %dma_start3A_4 = tpu.memref_slice %arg4[%dma_start3A, %dma_start3A_3] : memref<1000000x64xf32, #tpu.memory_space<hbm>> -> memref<1000000x64xf32, #tpu.memory_space<hbm>>
    tpu.enqueue_indirect_dma source(%dma_start3A_4 : memref<1000000x64xf32, #tpu.memory_space<hbm>>) target(%arg10 : memref<512x64xf32, #tpu.memory_space<vmem>>) offsets(%arg8 : memref<512xi32, #tpu.memory_space<vmem>>) semaphore(%arg12 : memref<!tpu.dma_semaphore, #tpu.memory_space<semaphore_mem>>)
    %dma_start3A_5 = arith.constant 0 : i32
    %dma_start3A_6 = arith.constant 0 : i32
    %dma_start3A_7 = tpu.memref_slice %arg5[%dma_start3A_5, %dma_start3A_6] : memref<1000000x64xf32, #tpu.memory_space<hbm>> -> memref<1000000x64xf32, #tpu.memory_space<hbm>>
    tpu.enqueue_indirect_dma source(%dma_start3A_7 : memref<1000000x64xf32, #tpu.memory_space<hbm>>) target(%arg11 : memref<512x64xf32, #tpu.memory_space<vmem>>) offsets(%arg9 : memref<512xi32, #tpu.memory_space<vmem>>) semaphore(%arg13 : memref<!tpu.dma_semaphore, #tpu.memory_space<semaphore_mem>>)
    %dma_wait3A = arith.constant 0 : i32
    %dma_wait3A_8 = arith.constant 0 : i32
    %dma_wait3A_9 = tpu.memref_slice %arg4[%dma_wait3A, %dma_wait3A_8] : memref<1000000x64xf32, #tpu.memory_space<hbm>> -> memref<1000000x64xf32, #tpu.memory_space<hbm>>
    tpu.wait_indirect_dma semaphore(%arg12 : memref<!tpu.dma_semaphore, #tpu.memory_space<semaphore_mem>>) src(%dma_wait3A_9 : memref<1000000x64xf32, #tpu.memory_space<hbm>>) dst(%arg10 : memref<512x64xf32, #tpu.memory_space<vmem>>)
    %scan3A = arith.constant 0 : i32
    %scan3A_10 = arith.constant 0 : i32
    %scan3A_11 = arith.constant 32 : i32
    %scan3A_12 = arith.addi %scan3A_10, %scan3A_11 : i32
    %scan3A_13 = arith.constant 1 : i32
    scf.for %scan3A_40 = %scan3A_10 to %scan3A_12 step %scan3A_13  : i32 {
      %mul3A_41 = arith.constant 16 : i32
      %mul3A_42 = arith.muli %scan3A_40, %mul3A_41 : i32
      %iota3A = tpu.iota {dimensions = array<i32: 0>} : vector<16xi32>
      %add3A_43 = vector.broadcast %mul3A_42 : i32 to vector<16xi32>
      %add3A_44 = arith.addi %add3A_43, %iota3A : vector<16xi32>
      %broadcast_in_dim3A = arith.constant 0 : i32
      %broadcast_in_dim3A_45 = vector.broadcast %broadcast_in_dim3A : i32 to vector<16xi32>
      %gather3A = tpu.vector_load_idx %arg10[%add3A_44, %broadcast_in_dim3A_45] : memref<512x64xf32, #tpu.memory_space<vmem>>[vector<16xi32>, vector<16xi32>], vector<16xf32>,
      %scan3A_46 = arith.constant 1 : i32
      %scan3A_47 = arith.constant 60 : i32
      %scan3A_48 = arith.addi %scan3A_46, %scan3A_47 : i32
      %scan3A_49 = arith.constant 4 : i32
      %scan3A_50 = scf.for %scan3A_126 = %scan3A_46 to %scan3A_48 step %scan3A_49 iter_args(%scan3A_127 = %gather3A) -> (vector<16xf32>)  : i32 {
        %broadcast_in_dim3A_128 = vector.broadcast %scan3A_126 : i32 to vector<16xi32>
        %gather3A_129 = tpu.vector_load_idx %arg10[%add3A_44, %broadcast_in_dim3A_128] : memref<512x64xf32, #tpu.memory_space<vmem>>[vector<16xi32>, vector<16xi32>], vector<16xf32>,
        %max3A_130 = arith.maximumf %scan3A_127, %gather3A_129 : vector<16xf32>
        %scan3A_131 = arith.constant 1 : i32
        %scan3A_132 = arith.addi %scan3A_126, %scan3A_131 : i32
        %broadcast_in_dim3A_133 = vector.broadcast %scan3A_132 : i32 to vector<16xi32>
        %gather3A_134 = tpu.vector_load_idx %arg10[%add3A_44, %broadcast_in_dim3A_133] : memref<512x64xf32, #tpu.memory_space<vmem>>[vector<16xi32>, vector<16xi32>], vector<16xf32>,
        %max3A_135 = arith.maximumf %max3A_130, %gather3A_134 : vector<16xf32>
        %scan3A_136 = arith.constant 2 : i32
        %scan3A_137 = arith.addi %scan3A_126, %scan3A_136 : i32
        %broadcast_in_dim3A_138 = vector.broadcast %scan3A_137 : i32 to vector<16xi32>
        %gather3A_139 = tpu.vector_load_idx %arg10[%add3A_44, %broadcast_in_dim3A_138] : memref<512x64xf32, #tpu.memory_space<vmem>>[vector<16xi32>, vector<16xi32>], vector<16xf32>,
        %max3A_140 = arith.maximumf %max3A_135, %gather3A_139 : vector<16xf32>
        %scan3A_141 = arith.constant 3 : i32
        %scan3A_142 = arith.addi %scan3A_126, %scan3A_141 : i32
        %broadcast_in_dim3A_143 = vector.broadcast %scan3A_142 : i32 to vector<16xi32>
        %gather3A_144 = tpu.vector_load_idx %arg10[%add3A_44, %broadcast_in_dim3A_143] : memref<512x64xf32, #tpu.memory_space<vmem>>[vector<16xi32>, vector<16xi32>], vector<16xf32>,
        %max3A_145 = arith.maximumf %max3A_140, %gather3A_144 : vector<16xf32>
        scf.yield %max3A_145 : vector<16xf32>
      }
      %scan3A_51 = arith.constant 60 : i32
      %scan3A_52 = arith.addi %scan3A_46, %scan3A_51 : i32
      %broadcast_in_dim3A_53 = vector.broadcast %scan3A_52 : i32 to vector<16xi32>
      %gather3A_54 = tpu.vector_load_idx %arg10[%add3A_44, %broadcast_in_dim3A_53] : memref<512x64xf32, #tpu.memory_space<vmem>>[vector<16xi32>, vector<16xi32>], vector<16xf32>,
      %max3A = arith.maximumf %scan3A_50, %gather3A_54 : vector<16xf32>
      %scan3A_55 = arith.constant 61 : i32
      %scan3A_56 = arith.addi %scan3A_46, %scan3A_55 : i32
      %broadcast_in_dim3A_57 = vector.broadcast %scan3A_56 : i32 to vector<16xi32>
      %gather3A_58 = tpu.vector_load_idx %arg10[%add3A_44, %broadcast_in_dim3A_57] : memref<512x64xf32, #tpu.memory_space<vmem>>[vector<16xi32>, vector<16xi32>], vector<16xf32>,
      %max3A_59 = arith.maximumf %max3A, %gather3A_58 : vector<16xf32>
      %scan3A_60 = arith.constant 62 : i32
      %scan3A_61 = arith.addi %scan3A_46, %scan3A_60 : i32
      %broadcast_in_dim3A_62 = vector.broadcast %scan3A_61 : i32 to vector<16xi32>
      %gather3A_63 = tpu.vector_load_idx %arg10[%add3A_44, %broadcast_in_dim3A_62] : memref<512x64xf32, #tpu.memory_space<vmem>>[vector<16xi32>, vector<16xi32>], vector<16xf32>,
      %max3A_64 = arith.maximumf %max3A_59, %gather3A_63 : vector<16xf32>
      %scan3A_65 = arith.constant 63 : i32
      %broadcast_in_dim3A_66 = arith.constant 0.000000e+00 : f32
      %broadcast_in_dim3A_67 = vector.broadcast %broadcast_in_dim3A_66 : f32 to vector<16xf32>
      %scan3A_68 = arith.constant 0 : i32
      %scan3A_69 = arith.constant 64 : i32
      %scan3A_70 = arith.addi %scan3A_68, %scan3A_69 : i32
      %scan3A_71 = arith.constant 4 : i32
      %scan3A_72 = scf.for %scan3A_126 = %scan3A_68 to %scan3A_70 step %scan3A_71 iter_args(%scan3A_127 = %broadcast_in_dim3A_67) -> (vector<16xf32>)  : i32 {
        %broadcast_in_dim3A_128 = vector.broadcast %scan3A_126 : i32 to vector<16xi32>
        %gather3A_129 = tpu.vector_load_idx %arg10[%add3A_44, %broadcast_in_dim3A_128] : memref<512x64xf32, #tpu.memory_space<vmem>>[vector<16xi32>, vector<16xi32>], vector<16xf32>,
        %sub3A_130 = arith.subf %gather3A_129, %max3A_64 : vector<16xf32>
        %exp3A = math.exp %sub3A_130 : vector<16xf32>
        %add3A_131 = arith.addf %scan3A_127, %exp3A : vector<16xf32>
        %scan3A_132 = arith.constant 1 : i32
        %scan3A_133 = arith.addi %scan3A_126, %scan3A_132 : i32
        %broadcast_in_dim3A_134 = vector.broadcast %scan3A_133 : i32 to vector<16xi32>
        %gather3A_135 = tpu.vector_load_idx %arg10[%add3A_44, %broadcast_in_dim3A_134] : memref<512x64xf32, #tpu.memory_space<vmem>>[vector<16xi32>, vector<16xi32>], vector<16xf32>,
        %sub3A_136 = arith.subf %gather3A_135, %max3A_64 : vector<16xf32>
        %exp3A_137 = math.exp %sub3A_136 : vector<16xf32>
        %add3A_138 = arith.addf %add3A_131, %exp3A_137 : vector<16xf32>
        %scan3A_139 = arith.constant 2 : i32
        %scan3A_140 = arith.addi %scan3A_126, %scan3A_139 : i32
        %broadcast_in_dim3A_141 = vector.broadcast %scan3A_140 : i32 to vector<16xi32>
        %gather3A_142 = tpu.vector_load_idx %arg10[%add3A_44, %broadcast_in_dim3A_141] : memref<512x64xf32, #tpu.memory_space<vmem>>[vector<16xi32>, vector<16xi32>], vector<16xf32>,
        %sub3A_143 = arith.subf %gather3A_142, %max3A_64 : vector<16xf32>
        %exp3A_144 = math.exp %sub3A_143 : vector<16xf32>
        %add3A_145 = arith.addf %add3A_138, %exp3A_144 : vector<16xf32>
        %scan3A_146 = arith.constant 3 : i32
        %scan3A_147 = arith.addi %scan3A_126, %scan3A_146 : i32
        %broadcast_in_dim3A_148 = vector.broadcast %scan3A_147 : i32 to vector<16xi32>
        %gather3A_149 = tpu.vector_load_idx %arg10[%add3A_44, %broadcast_in_dim3A_148] : memref<512x64xf32, #tpu.memory_space<vmem>>[vector<16xi32>, vector<16xi32>], vector<16xf32>,
        %sub3A_150 = arith.subf %gather3A_149, %max3A_64 : vector<16xf32>
        %exp3A_151 = math.exp %sub3A_150 : vector<16xf32>
        %add3A_152 = arith.addf %add3A_145, %exp3A_151 : vector<16xf32>
        scf.yield %add3A_152 : vector<16xf32>
      }
      %scan3A_73 = arith.constant 64 : i32
      %bitcast3A = vector.bitcast %scan3A_72 : vector<16xf32> to vector<16xi32>
      %shift_right_arithmetic3A = arith.constant 23 : i32
      %shift_right_arithmetic3A_74 = vector.broadcast %shift_right_arithmetic3A : i32 to vector<16xi32>
      %shift_right_arithmetic3A_75 = arith.shrsi %bitcast3A, %shift_right_arithmetic3A_74 : vector<16xi32>
      %sub3A = arith.constant 127 : i32
      %sub3A_76 = vector.broadcast %sub3A : i32 to vector<16xi32>
      %sub3A_77 = arith.subi %shift_right_arithmetic3A_75, %sub3A_76 : vector<16xi32>
      %and3A = arith.constant 8388607 : i32
      %and3A_78 = vector.broadcast %and3A : i32 to vector<16xi32>
      %and3A_79 = arith.andi %bitcast3A, %and3A_78 : vector<16xi32>
      %or3A = arith.constant 1065353216 : i32
      %or3A_80 = vector.broadcast %or3A : i32 to vector<16xi32>
      %or3A_81 = arith.ori %and3A_79, %or3A_80 : vector<16xi32>
      %bitcast3A_82 = vector.bitcast %or3A_81 : vector<16xi32> to vector<16xf32>
      %gt3A = arith.constant 1.41421354 : f32
      %gt3A_83 = vector.broadcast %gt3A : f32 to vector<16xf32>
      %gt3A_84 = arith.cmpf ogt, %bitcast3A_82, %gt3A_83 : vector<16xf32>
      %mul3A_85 = arith.constant 5.000000e-01 : f32
      %mul3A_86 = vector.broadcast %mul3A_85 : f32 to vector<16xf32>
      %mul3A_87 = arith.mulf %bitcast3A_82, %mul3A_86 : vector<16xf32>
      %select_n3A = arith.select %gt3A_84, %mul3A_87, %bitcast3A_82 : vector<16xi1>, vector<16xf32>
      %convert_element_type3A = arith.extui %gt3A_84 : vector<16xi1> to vector<16xi32>
      %add3A_88 = arith.addi %sub3A_77, %convert_element_type3A : vector<16xi32>
      %convert_element_type3A_89 = arith.sitofp %add3A_88 : vector<16xi32> to vector<16xf32>
      %sub3A_90 = arith.constant 1.000000e+00 : f32
      %sub3A_91 = vector.broadcast %sub3A_90 : f32 to vector<16xf32>
      %sub3A_92 = arith.subf %select_n3A, %sub3A_91 : vector<16xf32>
      %add3A_93 = arith.constant 1.000000e+00 : f32
      %add3A_94 = vector.broadcast %add3A_93 : f32 to vector<16xf32>
      %add3A_95 = arith.addf %select_n3A, %add3A_94 : vector<16xf32>
      %div3A = arith.divf %sub3A_92, %add3A_95 : vector<16xf32>
      %mul3A_96 = arith.mulf %div3A, %div3A : vector<16xf32>
      %mul3A_97 = arith.constant 2.000000e+00 : f32
      %mul3A_98 = vector.broadcast %mul3A_97 : f32 to vector<16xf32>
      %mul3A_99 = arith.mulf %mul3A_98, %div3A : vector<16xf32>
      %mul3A_100 = arith.constant 0.142857149 : f32
      %mul3A_101 = vector.broadcast %mul3A_100 : f32 to vector<16xf32>
      %mul3A_102 = arith.mulf %mul3A_96, %mul3A_101 : vector<16xf32>
      %add3A_103 = arith.constant 2.000000e-01 : f32
      %add3A_104 = vector.broadcast %add3A_103 : f32 to vector<16xf32>
      %add3A_105 = arith.addf %add3A_104, %mul3A_102 : vector<16xf32>
      %mul3A_106 = arith.mulf %mul3A_96, %add3A_105 : vector<16xf32>
      %add3A_107 = arith.constant 0.333333343 : f32
      %add3A_108 = vector.broadcast %add3A_107 : f32 to vector<16xf32>
      %add3A_109 = arith.addf %add3A_108, %mul3A_106 : vector<16xf32>
      %mul3A_110 = arith.mulf %mul3A_96, %add3A_109 : vector<16xf32>
      %add3A_111 = arith.constant 1.000000e+00 : f32
      %add3A_112 = vector.broadcast %add3A_111 : f32 to vector<16xf32>
      %add3A_113 = arith.addf %add3A_112, %mul3A_110 : vector<16xf32>
      %mul3A_114 = arith.mulf %mul3A_99, %add3A_113 : vector<16xf32>
      %mul3A_115 = arith.constant 0.693147182 : f32
      %mul3A_116 = vector.broadcast %mul3A_115 : f32 to vector<16xf32>
      %mul3A_117 = arith.mulf %convert_element_type3A_89, %mul3A_116 : vector<16xf32>
      %add3A_118 = arith.addf %mul3A_117, %mul3A_114 : vector<16xf32>
      %add3A_119 = arith.addf %max3A_64, %add3A_118 : vector<16xf32>
      %scan3A_120 = arith.constant 0 : i32
      %scan3A_121 = arith.constant 0 : i32
      %scan3A_122 = arith.constant 64 : i32
      %scan3A_123 = arith.addi %scan3A_121, %scan3A_122 : i32
      %scan3A_124 = arith.constant 4 : i32
      scf.for %scan3A_126 = %scan3A_121 to %scan3A_123 step %scan3A_124  : i32 {
        %broadcast_in_dim3A_127 = vector.broadcast %scan3A_126 : i32 to vector<16xi32>
        %gather3A_128 = tpu.vector_load_idx %arg10[%add3A_44, %broadcast_in_dim3A_127] : memref<512x64xf32, #tpu.memory_space<vmem>>[vector<16xi32>, vector<16xi32>], vector<16xf32>,
        %sub3A_129 = arith.subf %gather3A_128, %add3A_119 : vector<16xf32>
        tpu.vector_store_idx %arg10[%add3A_44, %broadcast_in_dim3A_127], %sub3A_129 : memref<512x64xf32, #tpu.memory_space<vmem>>[vector<16xi32>, vector<16xi32>], vector<16xf32>,
        %scan3A_130 = arith.constant 1 : i32
        %scan3A_131 = arith.addi %scan3A_126, %scan3A_130 : i32
        %broadcast_in_dim3A_132 = vector.broadcast %scan3A_131 : i32 to vector<16xi32>
        %gather3A_133 = tpu.vector_load_idx %arg10[%add3A_44, %broadcast_in_dim3A_132] : memref<512x64xf32, #tpu.memory_space<vmem>>[vector<16xi32>, vector<16xi32>], vector<16xf32>,
        %sub3A_134 = arith.subf %gather3A_133, %add3A_119 : vector<16xf32>
        tpu.vector_store_idx %arg10[%add3A_44, %broadcast_in_dim3A_132], %sub3A_134 : memref<512x64xf32, #tpu.memory_space<vmem>>[vector<16xi32>, vector<16xi32>], vector<16xf32>,
        %scan3A_135 = arith.constant 2 : i32
        %scan3A_136 = arith.addi %scan3A_126, %scan3A_135 : i32
        %broadcast_in_dim3A_137 = vector.broadcast %scan3A_136 : i32 to vector<16xi32>
        %gather3A_138 = tpu.vector_load_idx %arg10[%add3A_44, %broadcast_in_dim3A_137] : memref<512x64xf32, #tpu.memory_space<vmem>>[vector<16xi32>, vector<16xi32>], vector<16xf32>,
        %sub3A_139 = arith.subf %gather3A_138, %add3A_119 : vector<16xf32>
        tpu.vector_store_idx %arg10[%add3A_44, %broadcast_in_dim3A_137], %sub3A_139 : memref<512x64xf32, #tpu.memory_space<vmem>>[vector<16xi32>, vector<16xi32>], vector<16xf32>,
        %scan3A_140 = arith.constant 3 : i32
        %scan3A_141 = arith.addi %scan3A_126, %scan3A_140 : i32
        %broadcast_in_dim3A_142 = vector.broadcast %scan3A_141 : i32 to vector<16xi32>
        %gather3A_143 = tpu.vector_load_idx %arg10[%add3A_44, %broadcast_in_dim3A_142] : memref<512x64xf32, #tpu.memory_space<vmem>>[vector<16xi32>, vector<16xi32>], vector<16xf32>,
        %sub3A_144 = arith.subf %gather3A_143, %add3A_119 : vector<16xf32>
        tpu.vector_store_idx %arg10[%add3A_44, %broadcast_in_dim3A_142], %sub3A_144 : memref<512x64xf32, #tpu.memory_space<vmem>>[vector<16xi32>, vector<16xi32>], vector<16xf32>,
      }
      %scan3A_125 = arith.constant 64 : i32
    }
    %scan3A_14 = arith.constant 32 : i32
    %dma_start3A_15 = arith.constant 0 : i32
    %dma_start3A_16 = tpu.memref_slice %arg6[%mul3A_2, %dma_start3A_15] : memref<16384x64xf32, #tpu.memory_space<hbm>> -> memref<512x64xf32, #tpu.memory_space<hbm>>
    %dma_start3A_17 = arith.constant 0 : i32
    %dma_start3A_18 = tpu.memref_slice %arg6[%mul3A_2, %dma_start3A_17] : memref<16384x64xf32, #tpu.memory_space<hbm>> -> memref<512x64xf32, #tpu.memory_space<hbm>>
    tpu.enqueue_dma source(%arg10 : memref<512x64xf32, #tpu.memory_space<vmem>>) target(%dma_start3A_18 : memref<512x64xf32, #tpu.memory_space<hbm>>) target_semaphore(%arg14 : memref<!tpu.dma_semaphore, #tpu.memory_space<semaphore_mem>>)
    %dma_wait3A_19 = arith.constant 0 : i32
    %dma_wait3A_20 = arith.constant 0 : i32
    %dma_wait3A_21 = tpu.memref_slice %arg5[%dma_wait3A_19, %dma_wait3A_20] : memref<1000000x64xf32, #tpu.memory_space<hbm>> -> memref<1000000x64xf32, #tpu.memory_space<hbm>>
    tpu.wait_indirect_dma semaphore(%arg13 : memref<!tpu.dma_semaphore, #tpu.memory_space<semaphore_mem>>) src(%dma_wait3A_21 : memref<1000000x64xf32, #tpu.memory_space<hbm>>) dst(%arg11 : memref<512x64xf32, #tpu.memory_space<vmem>>)
    %scan3A_22 = arith.constant 0 : i32
    %scan3A_23 = arith.constant 0 : i32
    %scan3A_24 = arith.constant 32 : i32
    %scan3A_25 = arith.addi %scan3A_23, %scan3A_24 : i32
    %scan3A_26 = arith.constant 1 : i32
    scf.for %scan3A_40 = %scan3A_23 to %scan3A_25 step %scan3A_26  : i32 {
      %mul3A_41 = arith.constant 16 : i32
      %mul3A_42 = arith.muli %scan3A_40, %mul3A_41 : i32
      %iota3A = tpu.iota {dimensions = array<i32: 0>} : vector<16xi32>
      %add3A_43 = vector.broadcast %mul3A_42 : i32 to vector<16xi32>
      %add3A_44 = arith.addi %add3A_43, %iota3A : vector<16xi32>
      %broadcast_in_dim3A = arith.constant 0 : i32
      %broadcast_in_dim3A_45 = vector.broadcast %broadcast_in_dim3A : i32 to vector<16xi32>
      %gather3A = tpu.vector_load_idx %arg11[%add3A_44, %broadcast_in_dim3A_45] : memref<512x64xf32, #tpu.memory_space<vmem>>[vector<16xi32>, vector<16xi32>], vector<16xf32>,
      %scan3A_46 = arith.constant 1 : i32
      %scan3A_47 = arith.constant 60 : i32
      %scan3A_48 = arith.addi %scan3A_46, %scan3A_47 : i32
      %scan3A_49 = arith.constant 4 : i32
      %scan3A_50 = scf.for %scan3A_126 = %scan3A_46 to %scan3A_48 step %scan3A_49 iter_args(%scan3A_127 = %gather3A) -> (vector<16xf32>)  : i32 {
        %broadcast_in_dim3A_128 = vector.broadcast %scan3A_126 : i32 to vector<16xi32>
        %gather3A_129 = tpu.vector_load_idx %arg11[%add3A_44, %broadcast_in_dim3A_128] : memref<512x64xf32, #tpu.memory_space<vmem>>[vector<16xi32>, vector<16xi32>], vector<16xf32>,
        %max3A_130 = arith.maximumf %scan3A_127, %gather3A_129 : vector<16xf32>
        %scan3A_131 = arith.constant 1 : i32
        %scan3A_132 = arith.addi %scan3A_126, %scan3A_131 : i32
        %broadcast_in_dim3A_133 = vector.broadcast %scan3A_132 : i32 to vector<16xi32>
        %gather3A_134 = tpu.vector_load_idx %arg11[%add3A_44, %broadcast_in_dim3A_133] : memref<512x64xf32, #tpu.memory_space<vmem>>[vector<16xi32>, vector<16xi32>], vector<16xf32>,
        %max3A_135 = arith.maximumf %max3A_130, %gather3A_134 : vector<16xf32>
        %scan3A_136 = arith.constant 2 : i32
        %scan3A_137 = arith.addi %scan3A_126, %scan3A_136 : i32
        %broadcast_in_dim3A_138 = vector.broadcast %scan3A_137 : i32 to vector<16xi32>
        %gather3A_139 = tpu.vector_load_idx %arg11[%add3A_44, %broadcast_in_dim3A_138] : memref<512x64xf32, #tpu.memory_space<vmem>>[vector<16xi32>, vector<16xi32>], vector<16xf32>,
        %max3A_140 = arith.maximumf %max3A_135, %gather3A_139 : vector<16xf32>
        %scan3A_141 = arith.constant 3 : i32
        %scan3A_142 = arith.addi %scan3A_126, %scan3A_141 : i32
        %broadcast_in_dim3A_143 = vector.broadcast %scan3A_142 : i32 to vector<16xi32>
        %gather3A_144 = tpu.vector_load_idx %arg11[%add3A_44, %broadcast_in_dim3A_143] : memref<512x64xf32, #tpu.memory_space<vmem>>[vector<16xi32>, vector<16xi32>], vector<16xf32>,
        %max3A_145 = arith.maximumf %max3A_140, %gather3A_144 : vector<16xf32>
        scf.yield %max3A_145 : vector<16xf32>
      }
      %scan3A_51 = arith.constant 60 : i32
      %scan3A_52 = arith.addi %scan3A_46, %scan3A_51 : i32
      %broadcast_in_dim3A_53 = vector.broadcast %scan3A_52 : i32 to vector<16xi32>
      %gather3A_54 = tpu.vector_load_idx %arg11[%add3A_44, %broadcast_in_dim3A_53] : memref<512x64xf32, #tpu.memory_space<vmem>>[vector<16xi32>, vector<16xi32>], vector<16xf32>,
      %max3A = arith.maximumf %scan3A_50, %gather3A_54 : vector<16xf32>
      %scan3A_55 = arith.constant 61 : i32
      %scan3A_56 = arith.addi %scan3A_46, %scan3A_55 : i32
      %broadcast_in_dim3A_57 = vector.broadcast %scan3A_56 : i32 to vector<16xi32>
      %gather3A_58 = tpu.vector_load_idx %arg11[%add3A_44, %broadcast_in_dim3A_57] : memref<512x64xf32, #tpu.memory_space<vmem>>[vector<16xi32>, vector<16xi32>], vector<16xf32>,
      %max3A_59 = arith.maximumf %max3A, %gather3A_58 : vector<16xf32>
      %scan3A_60 = arith.constant 62 : i32
      %scan3A_61 = arith.addi %scan3A_46, %scan3A_60 : i32
      %broadcast_in_dim3A_62 = vector.broadcast %scan3A_61 : i32 to vector<16xi32>
      %gather3A_63 = tpu.vector_load_idx %arg11[%add3A_44, %broadcast_in_dim3A_62] : memref<512x64xf32, #tpu.memory_space<vmem>>[vector<16xi32>, vector<16xi32>], vector<16xf32>,
      %max3A_64 = arith.maximumf %max3A_59, %gather3A_63 : vector<16xf32>
      %scan3A_65 = arith.constant 63 : i32
      %broadcast_in_dim3A_66 = arith.constant 0.000000e+00 : f32
      %broadcast_in_dim3A_67 = vector.broadcast %broadcast_in_dim3A_66 : f32 to vector<16xf32>
      %scan3A_68 = arith.constant 0 : i32
      %scan3A_69 = arith.constant 64 : i32
      %scan3A_70 = arith.addi %scan3A_68, %scan3A_69 : i32
      %scan3A_71 = arith.constant 4 : i32
      %scan3A_72 = scf.for %scan3A_126 = %scan3A_68 to %scan3A_70 step %scan3A_71 iter_args(%scan3A_127 = %broadcast_in_dim3A_67) -> (vector<16xf32>)  : i32 {
        %broadcast_in_dim3A_128 = vector.broadcast %scan3A_126 : i32 to vector<16xi32>
        %gather3A_129 = tpu.vector_load_idx %arg11[%add3A_44, %broadcast_in_dim3A_128] : memref<512x64xf32, #tpu.memory_space<vmem>>[vector<16xi32>, vector<16xi32>], vector<16xf32>,
        %sub3A_130 = arith.subf %gather3A_129, %max3A_64 : vector<16xf32>
        %exp3A = math.exp %sub3A_130 : vector<16xf32>
        %add3A_131 = arith.addf %scan3A_127, %exp3A : vector<16xf32>
        %scan3A_132 = arith.constant 1 : i32
        %scan3A_133 = arith.addi %scan3A_126, %scan3A_132 : i32
        %broadcast_in_dim3A_134 = vector.broadcast %scan3A_133 : i32 to vector<16xi32>
        %gather3A_135 = tpu.vector_load_idx %arg11[%add3A_44, %broadcast_in_dim3A_134] : memref<512x64xf32, #tpu.memory_space<vmem>>[vector<16xi32>, vector<16xi32>], vector<16xf32>,
        %sub3A_136 = arith.subf %gather3A_135, %max3A_64 : vector<16xf32>
        %exp3A_137 = math.exp %sub3A_136 : vector<16xf32>
        %add3A_138 = arith.addf %add3A_131, %exp3A_137 : vector<16xf32>
        %scan3A_139 = arith.constant 2 : i32
        %scan3A_140 = arith.addi %scan3A_126, %scan3A_139 : i32
        %broadcast_in_dim3A_141 = vector.broadcast %scan3A_140 : i32 to vector<16xi32>
        %gather3A_142 = tpu.vector_load_idx %arg11[%add3A_44, %broadcast_in_dim3A_141] : memref<512x64xf32, #tpu.memory_space<vmem>>[vector<16xi32>, vector<16xi32>], vector<16xf32>,
        %sub3A_143 = arith.subf %gather3A_142, %max3A_64 : vector<16xf32>
        %exp3A_144 = math.exp %sub3A_143 : vector<16xf32>
        %add3A_145 = arith.addf %add3A_138, %exp3A_144 : vector<16xf32>
        %scan3A_146 = arith.constant 3 : i32
        %scan3A_147 = arith.addi %scan3A_126, %scan3A_146 : i32
        %broadcast_in_dim3A_148 = vector.broadcast %scan3A_147 : i32 to vector<16xi32>
        %gather3A_149 = tpu.vector_load_idx %arg11[%add3A_44, %broadcast_in_dim3A_148] : memref<512x64xf32, #tpu.memory_space<vmem>>[vector<16xi32>, vector<16xi32>], vector<16xf32>,
        %sub3A_150 = arith.subf %gather3A_149, %max3A_64 : vector<16xf32>
        %exp3A_151 = math.exp %sub3A_150 : vector<16xf32>
        %add3A_152 = arith.addf %add3A_145, %exp3A_151 : vector<16xf32>
        scf.yield %add3A_152 : vector<16xf32>
      }
      %scan3A_73 = arith.constant 64 : i32
      %bitcast3A = vector.bitcast %scan3A_72 : vector<16xf32> to vector<16xi32>
      %shift_right_arithmetic3A = arith.constant 23 : i32
      %shift_right_arithmetic3A_74 = vector.broadcast %shift_right_arithmetic3A : i32 to vector<16xi32>
      %shift_right_arithmetic3A_75 = arith.shrsi %bitcast3A, %shift_right_arithmetic3A_74 : vector<16xi32>
      %sub3A = arith.constant 127 : i32
      %sub3A_76 = vector.broadcast %sub3A : i32 to vector<16xi32>
      %sub3A_77 = arith.subi %shift_right_arithmetic3A_75, %sub3A_76 : vector<16xi32>
      %and3A = arith.constant 8388607 : i32
      %and3A_78 = vector.broadcast %and3A : i32 to vector<16xi32>
      %and3A_79 = arith.andi %bitcast3A, %and3A_78 : vector<16xi32>
      %or3A = arith.constant 1065353216 : i32
      %or3A_80 = vector.broadcast %or3A : i32 to vector<16xi32>
      %or3A_81 = arith.ori %and3A_79, %or3A_80 : vector<16xi32>
      %bitcast3A_82 = vector.bitcast %or3A_81 : vector<16xi32> to vector<16xf32>
      %gt3A = arith.constant 1.41421354 : f32
      %gt3A_83 = vector.broadcast %gt3A : f32 to vector<16xf32>
      %gt3A_84 = arith.cmpf ogt, %bitcast3A_82, %gt3A_83 : vector<16xf32>
      %mul3A_85 = arith.constant 5.000000e-01 : f32
      %mul3A_86 = vector.broadcast %mul3A_85 : f32 to vector<16xf32>
      %mul3A_87 = arith.mulf %bitcast3A_82, %mul3A_86 : vector<16xf32>
      %select_n3A = arith.select %gt3A_84, %mul3A_87, %bitcast3A_82 : vector<16xi1>, vector<16xf32>
      %convert_element_type3A = arith.extui %gt3A_84 : vector<16xi1> to vector<16xi32>
      %add3A_88 = arith.addi %sub3A_77, %convert_element_type3A : vector<16xi32>
      %convert_element_type3A_89 = arith.sitofp %add3A_88 : vector<16xi32> to vector<16xf32>
      %sub3A_90 = arith.constant 1.000000e+00 : f32
      %sub3A_91 = vector.broadcast %sub3A_90 : f32 to vector<16xf32>
      %sub3A_92 = arith.subf %select_n3A, %sub3A_91 : vector<16xf32>
      %add3A_93 = arith.constant 1.000000e+00 : f32
      %add3A_94 = vector.broadcast %add3A_93 : f32 to vector<16xf32>
      %add3A_95 = arith.addf %select_n3A, %add3A_94 : vector<16xf32>
      %div3A = arith.divf %sub3A_92, %add3A_95 : vector<16xf32>
      %mul3A_96 = arith.mulf %div3A, %div3A : vector<16xf32>
      %mul3A_97 = arith.constant 2.000000e+00 : f32
      %mul3A_98 = vector.broadcast %mul3A_97 : f32 to vector<16xf32>
      %mul3A_99 = arith.mulf %mul3A_98, %div3A : vector<16xf32>
      %mul3A_100 = arith.constant 0.142857149 : f32
      %mul3A_101 = vector.broadcast %mul3A_100 : f32 to vector<16xf32>
      %mul3A_102 = arith.mulf %mul3A_96, %mul3A_101 : vector<16xf32>
      %add3A_103 = arith.constant 2.000000e-01 : f32
      %add3A_104 = vector.broadcast %add3A_103 : f32 to vector<16xf32>
      %add3A_105 = arith.addf %add3A_104, %mul3A_102 : vector<16xf32>
      %mul3A_106 = arith.mulf %mul3A_96, %add3A_105 : vector<16xf32>
      %add3A_107 = arith.constant 0.333333343 : f32
      %add3A_108 = vector.broadcast %add3A_107 : f32 to vector<16xf32>
      %add3A_109 = arith.addf %add3A_108, %mul3A_106 : vector<16xf32>
      %mul3A_110 = arith.mulf %mul3A_96, %add3A_109 : vector<16xf32>
      %add3A_111 = arith.constant 1.000000e+00 : f32
      %add3A_112 = vector.broadcast %add3A_111 : f32 to vector<16xf32>
      %add3A_113 = arith.addf %add3A_112, %mul3A_110 : vector<16xf32>
      %mul3A_114 = arith.mulf %mul3A_99, %add3A_113 : vector<16xf32>
      %mul3A_115 = arith.constant 0.693147182 : f32
      %mul3A_116 = vector.broadcast %mul3A_115 : f32 to vector<16xf32>
      %mul3A_117 = arith.mulf %convert_element_type3A_89, %mul3A_116 : vector<16xf32>
      %add3A_118 = arith.addf %mul3A_117, %mul3A_114 : vector<16xf32>
      %add3A_119 = arith.addf %max3A_64, %add3A_118 : vector<16xf32>
      %scan3A_120 = arith.constant 0 : i32
      %scan3A_121 = arith.constant 0 : i32
      %scan3A_122 = arith.constant 64 : i32
      %scan3A_123 = arith.addi %scan3A_121, %scan3A_122 : i32
      %scan3A_124 = arith.constant 4 : i32
      scf.for %scan3A_126 = %scan3A_121 to %scan3A_123 step %scan3A_124  : i32 {
        %broadcast_in_dim3A_127 = vector.broadcast %scan3A_126 : i32 to vector<16xi32>
        %gather3A_128 = tpu.vector_load_idx %arg11[%add3A_44, %broadcast_in_dim3A_127] : memref<512x64xf32, #tpu.memory_space<vmem>>[vector<16xi32>, vector<16xi32>], vector<16xf32>,
        %sub3A_129 = arith.subf %gather3A_128, %add3A_119 : vector<16xf32>
        tpu.vector_store_idx %arg11[%add3A_44, %broadcast_in_dim3A_127], %sub3A_129 : memref<512x64xf32, #tpu.memory_space<vmem>>[vector<16xi32>, vector<16xi32>], vector<16xf32>,
        %scan3A_130 = arith.constant 1 : i32
        %scan3A_131 = arith.addi %scan3A_126, %scan3A_130 : i32
        %broadcast_in_dim3A_132 = vector.broadcast %scan3A_131 : i32 to vector<16xi32>
        %gather3A_133 = tpu.vector_load_idx %arg11[%add3A_44, %broadcast_in_dim3A_132] : memref<512x64xf32, #tpu.memory_space<vmem>>[vector<16xi32>, vector<16xi32>], vector<16xf32>,
        %sub3A_134 = arith.subf %gather3A_133, %add3A_119 : vector<16xf32>
        tpu.vector_store_idx %arg11[%add3A_44, %broadcast_in_dim3A_132], %sub3A_134 : memref<512x64xf32, #tpu.memory_space<vmem>>[vector<16xi32>, vector<16xi32>], vector<16xf32>,
        %scan3A_135 = arith.constant 2 : i32
        %scan3A_136 = arith.addi %scan3A_126, %scan3A_135 : i32
        %broadcast_in_dim3A_137 = vector.broadcast %scan3A_136 : i32 to vector<16xi32>
        %gather3A_138 = tpu.vector_load_idx %arg11[%add3A_44, %broadcast_in_dim3A_137] : memref<512x64xf32, #tpu.memory_space<vmem>>[vector<16xi32>, vector<16xi32>], vector<16xf32>,
        %sub3A_139 = arith.subf %gather3A_138, %add3A_119 : vector<16xf32>
        tpu.vector_store_idx %arg11[%add3A_44, %broadcast_in_dim3A_137], %sub3A_139 : memref<512x64xf32, #tpu.memory_space<vmem>>[vector<16xi32>, vector<16xi32>], vector<16xf32>,
        %scan3A_140 = arith.constant 3 : i32
        %scan3A_141 = arith.addi %scan3A_126, %scan3A_140 : i32
        %broadcast_in_dim3A_142 = vector.broadcast %scan3A_141 : i32 to vector<16xi32>
        %gather3A_143 = tpu.vector_load_idx %arg11[%add3A_44, %broadcast_in_dim3A_142] : memref<512x64xf32, #tpu.memory_space<vmem>>[vector<16xi32>, vector<16xi32>], vector<16xf32>,
        %sub3A_144 = arith.subf %gather3A_143, %add3A_119 : vector<16xf32>
        tpu.vector_store_idx %arg11[%add3A_44, %broadcast_in_dim3A_142], %sub3A_144 : memref<512x64xf32, #tpu.memory_space<vmem>>[vector<16xi32>, vector<16xi32>], vector<16xf32>,
      }
      %scan3A_125 = arith.constant 64 : i32
    }
    %scan3A_27 = arith.constant 32 : i32
    %dma_start3A_28 = arith.constant 0 : i32
    %dma_start3A_29 = tpu.memref_slice %arg7[%mul3A_2, %dma_start3A_28] : memref<16384x64xf32, #tpu.memory_space<hbm>> -> memref<512x64xf32, #tpu.memory_space<hbm>>
    %dma_start3A_30 = arith.constant 0 : i32
    %dma_start3A_31 = tpu.memref_slice %arg7[%mul3A_2, %dma_start3A_30] : memref<16384x64xf32, #tpu.memory_space<hbm>> -> memref<512x64xf32, #tpu.memory_space<hbm>>
    tpu.enqueue_dma source(%arg11 : memref<512x64xf32, #tpu.memory_space<vmem>>) target(%dma_start3A_31 : memref<512x64xf32, #tpu.memory_space<hbm>>) target_semaphore(%arg15 : memref<!tpu.dma_semaphore, #tpu.memory_space<semaphore_mem>>)
    %dma_wait3A_32 = arith.constant 0 : i32
    %dma_wait3A_33 = tpu.memref_slice %arg6[%mul3A_2, %dma_wait3A_32] : memref<16384x64xf32, #tpu.memory_space<hbm>> -> memref<512x64xf32, #tpu.memory_space<hbm>>
    %dma_wait3A_34 = arith.constant 0 : i32
    %dma_wait3A_35 = tpu.memref_slice %arg6[%mul3A_2, %dma_wait3A_34] : memref<16384x64xf32, #tpu.memory_space<hbm>> -> memref<512x64xf32, #tpu.memory_space<hbm>>
    tpu.wait_dma2 semaphore(%arg14 : memref<!tpu.dma_semaphore, #tpu.memory_space<semaphore_mem>>) src(%arg10 : memref<512x64xf32, #tpu.memory_space<vmem>>) dst(%dma_wait3A_35 : memref<512x64xf32, #tpu.memory_space<hbm>>)
    %dma_wait3A_36 = arith.constant 0 : i32
    %dma_wait3A_37 = tpu.memref_slice %arg7[%mul3A_2, %dma_wait3A_36] : memref<16384x64xf32, #tpu.memory_space<hbm>> -> memref<512x64xf32, #tpu.memory_space<hbm>>
    %dma_wait3A_38 = arith.constant 0 : i32
    %dma_wait3A_39 = tpu.memref_slice %arg7[%mul3A_2, %dma_wait3A_38] : memref<16384x64xf32, #tpu.memory_space<hbm>> -> memref<512x64xf32, #tpu.memory_space<hbm>>
    tpu.wait_dma2 semaphore(%arg15 : memref<!tpu.dma_semaphore, #tpu.memory_space<semaphore_mem>>) src(%arg11 : memref<512x64xf32, #tpu.memory_space<vmem>>) dst(%dma_wait3A_39 : memref<512x64xf32, #tpu.memory_space<hbm>>)
    return
  }
}

</mosaic_0001>

<sc_bundles>
// kernel: _skipgram_sc.3.cloned.1.call-start
scs
__scs_entry_jumppad:
0x0: {  	(pc) =	sbr.rel $0x88, $3  }
0x1: {  	(tag) =	ssettag $0x0;
	lr =	simm.s32 $0x1  }
0x2: {  	[smem:$0x3F9D] =	sst lr;
	_ =	strace $0xD0000000  }
0x3: {  	_ = 	snop  }
0x4: {  	_ = 	snop  }
0x5: {  	_ = 	snop  }
0x6: {  	_ = 	snop  }
0x7: {  	_ = 	snop  }
__scs_overlays_trampoline_lowered:
0x8: {  	[smem:$0x3FAC] =	sst s0  }
0x9: {  	[smem:$0x3FAD] =	sst s1  }
0xa: {  	[smem:$0x3FAE] =	sst s2  }
0xb: {  	[smem:$0x3FAF] =	sst s3  }
0xc: {  	[smem:$0x3FB0] =	sst s4  }
0xd: {  	[smem:$0x3FB1] =	sst s5  }
0xe: {  	[smem:$0x3FB2] =	sst s6  }
0xf: {  	[smem:$0x3FB3] =	sst s7  }
0x10: {  	[smem:$0x3FB4] =	sst s8  }
0x11: {  	[smem:$0x3FB5] =	sst s9;
	s0 =	simm.s32 @!p0 $0x0  }
0x12: {  	s1 =	sld [smem:$0x3F9B];
	s0 =	simm.s32 @p0 $0x1  }
0x13: {  	[smem:$0x3FB6] =	sst s0;
	s0 =	simm.s32 @!p1 $0x0  }
0x14: {  	s2 =	sld [smem:$0x3F9A];
	s0 =	simm.s32 @p1 $0x1  }
0x15: {  	[smem:$0x3FB7] =	sst s0;
	s0 =	simm.s32 @!p2 $0x0  }
0x16: {  	s3 =	sld [smem:$0x3FDB];
	s0 =	simm.s32 @p2 $0x1  }
0x17: {  	s4 =	simm.s32 $0x1BF5;
	[smem:$0x3FB9] =	sst s0  }
0x18: {  	s0 =	sld [smem:$0x3F9C];
	_ =	swait.ge [sflag:s4], $0x0  }
0x19: {  	s7 =	sld [smem:$0x3F9D]  }
0x1a: {  	s8 =	sadd.s32 $0xFFFFE003, lr  }
0x1b: {  	s9 =	sadd.s32 $0xFFFFFEF7, lr;
	s5 =	simm.s32 $0xFFFFFFFF;
	p2 =	slt.u32 s8, $0xFFFFF086  }
0x1c: {  	p1 =	slt.u32 s9, $0xF7A;
	s5 =	simm.s32 @!p2 $0x0  }
0x1d: {  	s5 =	simm.s32 @p1 $0x1;
	p0 =	seq.s32 s7, s2  }
0x1e: {  	s7 =	smul.u32 @!p0 $0xF7A, s2;
	p2 =	seq.s32 @!p0 s5, $0x0  }
0x1f: {  	s9 =	smul.u32 $0xF7A, s1;
	s8 =	simm.s32 @!p0 $0x1BF5;
	p2 =	por !p2, p0  }
0x20: {  	[sflag:s8] =	ssyncset.s32 @!p0 $0xFFFFF086;
	s6 =	sadd.s32 @!p0 s3, s7;
	s7 =	simm.s32 @!p0 $0x108  }
0x21: {  	s3 =	sadd.s32 s3, s9;
	s6 =	sadd.s32 @!p0 $0x88, s6;
	s7 =	simm.s32 @p2 $0x1082  }
0x22: {  	[simem:s7], [sflag:s8] =	dma.local @!p0 [hbm:s6], $0xF7A  }
0x23: {  	s9 =	sor.u32 $0xD0000000, s2;
	s6 =	simm.s32 $0x108;
	_ =	swait.ge @!p0 [sflag:s8], $0x0  }
0x24: {  	s3 =	sadd.s32 $0x88, s3;
	s6 =	simm.s32 @!p1 $0x1082;
	[sflag:s4] =	ssyncset.s32 $0xFFFFF086  }
0x25: {  	[simem:s6], [sflag:s4] =	dma.local [hbm:s3], $0xF7A  }
0x26: {  	[smem:$0x3F9D] =	sst s1;
	(tag) =	ssettag s2;
	_ =	strace s9  }
0x27: {  	s1 =	sld [smem:$0x3FAD]  }
0x28: {  	s2 =	sld [smem:$0x3FAE]  }
0x29: {  	s4 =	sld [smem:$0x3FB0]  }
0x2a: {  	p0 =	seq.s32 s5, $0x0;
	s5 =	sld [smem:$0x3FB1]  }
0x2b: {  	s6 =	sld [smem:$0x3FB2]  }
0x2c: {  	s7 =	sld [smem:$0x3FB3]  }
0x2d: {  	s3 =	simm.s32 $0x108;
	s8 =	sld [smem:$0x3FB4]  }
0x2e: {  	s3 =	simm.s32 @!p0 $0x1082;
	s9 =	sld [smem:$0x3FB5]  }
0x2f: {  	lr =	sadd.s32 s0, s3;
	s0 =	sld [smem:$0x3FAC]  }
0x30: {  	s3 =	sld [smem:$0x3FAF]  }
0x31: {  	[smem:$0x3FB8] =	sst s10  }
0x32: {  	s10 =	sld [smem:$0x3FB6];
	_ =	sdelay $0x3  }
0x33: {  	p0 =	seq.s32 s10, $0x1;
	s10 =	sld [smem:$0x3FB8];
	_ =	sdelay $0x3  }
0x34: {  	[smem:$0x3FB8] =	sst s10  }
0x35: {  	s10 =	sld [smem:$0x3FB7];
	_ =	sdelay $0x3  }
0x36: {  	p1 =	seq.s32 s10, $0x1;
	s10 =	sld [smem:$0x3FB8];
	_ =	sdelay $0x3  }
0x37: {  	[smem:$0x3FB8] =	sst s10  }
0x38: {  	s10 =	sld [smem:$0x3FB9]  }
0x39: {  	_ = 	snop;
	(pc) =	sbr.ind lr, $3  }
0x3a: {  	_ = 	snop  }
0x3b: {  	_ = 	snop  }
0x3c: {  	p2 =	seq.s32 s10, $0x1;
	s10 =	sld [smem:$0x3FB8]  }
0x3d: {  	_ =	shalt  }
0x3e: {  	_ =	shalt  }
0x3f: {  	_ =	shalt  }
0x40: {  	_ =	shalt  }
0x41: {  	_ =	shalt  }
0x42: {  	_ =	shalt  }
0x43: {  	_ =	shalt  }
0x44: {  	_ =	shalt  }
0x45: {  	_ =	shalt  }
0x46: {  	_ =	shalt  }
0x47: {  	_ =	shalt  }
0x48: {  	_ =	shalt  }
0x49: {  	_ =	shalt  }
0x4a: {  	_ =	shalt  }
0x4b: {  	_ =	shalt  }
0x4c: {  	_ =	shalt  }
0x4d: {  	_ =	shalt  }
0x4e: {  	_ =	shalt  }
0x4f: {  	_ =	shalt  }
0x50: {  	_ =	shalt  }
0x51: {  	_ =	shalt  }
0x52: {  	_ =	shalt  }
0x53: {  	_ =	shalt  }
0x54: {  	_ =	shalt  }
0x55: {  	_ =	shalt  }
0x56: {  	_ =	shalt  }
0x57: {  	_ =	shalt  }
0x58: {  	_ =	shalt  }
0x59: {  	_ =	shalt  }
0x5a: {  	_ =	shalt  }
0x5b: {  	_ =	shalt  }
0x5c: {  	_ =	shalt  }
0x5d: {  	_ =	shalt  }
0x5e: {  	_ =	shalt  }
0x5f: {  	_ =	shalt  }
0x60: {  	_ =	shalt  }
0x61: {  	_ =	shalt  }
0x62: {  	_ =	shalt  }
0x63: {  	_ =	shalt  }
0x64: {  	_ =	shalt  }
0x65: {  	_ =	shalt  }
0x66: {  	_ =	shalt  }
0x67: {  	_ =	shalt  }
0x68: {  	_ =	shalt  }
0x69: {  	_ =	shalt  }
0x6a: {  	_ =	shalt  }
0x6b: {  	_ =	shalt  }
0x6c: {  	_ =	shalt  }
0x6d: {  	_ =	shalt  }
0x6e: {  	_ =	shalt  }
0x6f: {  	_ =	shalt  }
0x70: {  	_ =	shalt  }
0x71: {  	_ =	shalt  }
0x72: {  	_ =	shalt  }
0x73: {  	_ =	shalt  }
0x74: {  	_ =	shalt  }
0x75: {  	_ =	shalt  }
0x76: {  	_ =	shalt  }
0x77: {  	_ =	shalt  }
0x78: {  	_ =	shalt  }
0x79: {  	_ =	shalt  }
0x7a: {  	_ =	shalt  }
0x7b: {  	_ =	shalt  }
0x7c: {  	_ =	shalt  }
0x7d: {  	_ =	shalt  }
0x7e: {  	_ =	shalt  }
0x7f: {  	_ =	shalt  }
0x80: {  	_ =	shalt  }
0x81: {  	_ =	shalt  }
0x82: {  	_ =	shalt  }
0x83: {  	_ =	shalt  }
0x84: {  	_ =	shalt  }
0x85: {  	_ =	shalt  }
0x86: {  	_ =	shalt  }
0x87: {  	_ =	shalt  }
.Lfunc_end0:
.L_simem_size_0:
called_computation_lowered:
.L_overlay_start_0:
0x88: {  	s2 =	sld [smem:$0x3FD9]  }
0x89: {  	s3 =	sld [smem:$0x3FFE];
	_ =	sdelay $0x1  }
0x8a: {  	s1 =	srdreg.scid  }
0x8b: {  	s0 =	sand.u32 $0x1, s1  }
0x8c: {  	s14 =	sshll.u32 s0, $0xA;
	s2 =	sadd.s32 s3, s2  }
0x8d: {  	s2 =	sadd.s32 s2, s14  }
0x8e: {  	[smem:$0x3FC4] =	sst s2  }
0x8f: {  	_ = 	snop  }
0x90: {  	s2 =	sld [smem:$0x3FD0];
	_ =	sdelay $0x1  }
0x91: {  	s15 =	sld [smem:$0x3FC9]  }
0x92: {  	s5 =	simm.s32 $0xA;
	s6 =	simm.s32 $0x10;
	s4 =	sld [smem:$0x3FC8]  }
0x93: {  	[smem:s6], [sflag:s5] =	dma.local [hbm:s2], $0x1  }
0x94: {  	_ =	swait.eq [sflag:s5], $0x1  }
0x95: {  	[sflag:s5] =	ssyncset.done $0x0  }
0x96: {  	s16 =	sld [smem:$0x10];
	[sflag:s5] =	ssyncadd.s32 $0xFFFFFFFF  }
0x97: {  	s17 =	sld [smem:$0x11];
	(tm) =	ssettm $0x1  }
0x98: {  	s18 =	sld [smem:$0x3FFB];
	_ =	sdelay $0x3  }
0x99: {  	_ =	strace s18  }
0x9a: {  	s6 =	sld [smem:$0x3FFC];
	_ =	sdelay $0x3  }
0x9b: {  	_ =	strace s6  }
0x9c: {  	s6 =	sld [smem:$0x3FFD];
	_ =	sdelay $0x3  }
0x9d: {  	_ =	strace s6  }
0x9e: {  	_ =	strace $0x8FFFFFFF  }
0x9f: {  	s19 =	sld [smem:$0x3FDB];
	_ =	sdelay $0x1  }
0xa0: {  	s7 =	simm.s32 $_scs_section_size  }
0xa1: {  	s8 =	simm.s32 $_size__tile_overlayer_lowered;
	s9 =	simm.s32 $_tile_overlayer_lowered  }
0xa2: {  	s22 =	simm.s32 $0x1BFF;
	s21 =	sshll.u32 s9, $0x1;
	s6 =	sadd.s32 s7, s19  }
0xa3: {  	s10 =	simm.s32 $0x0;
	s20 =	sshll.u32 s8, $0x1;
	s8 =	sadd.s32 s21, s6  }
0xa4: {  	[timem:s10], [sflag:s22] =	dma.local [hbm:s8], s20  }
0xa5: {  	_ =	swait.ge [sflag:s22], s20  }
0xa6: {  	s7 =	ssub.s32 $0x0, s20;
	[sflag:s22] =	ssyncset.done $0x0  }
0xa7: {  	[sflag:s22] =	ssyncadd.s32 s7;
	_ =	sdelay $0x1  }
0xa8: {  	s23 =	simm.s32 $0x1B8B  }
0xa9: {  	_ =	swait.ge [sflag:s23], $0x1  }
0xaa: {  	[sflag:s23] =	ssyncset.done $0x0  }
0xab: {  	s25 =	simm.s32 $0x1B8E;
	s24 =	sld [smem:$0x3FFE];
	[sflag:s23] =	ssyncadd.s32 $0xFFFFFFFF  }
0xac: {  	s26 =	simm.s32 $execute0_lowered;
	[smem:$0x3FD2] =	sst s25  }
0xad: {  	s8 =	sshll.u32 s26, $0x1;
	_ =	strace $0x80000046;
	[dreg:$0x1] =	wrdreg $0xFFFFFFFF  }
0xae: {  	s28 =	simm.s32 $_size_execute0_lowered;
	s6 =	sadd.s32 s6, s8;
	[dreg:$0x0] =	wrdreg $0x0  }
0xaf: {  	s8 =	sshll.u32 s28, $0x1;
	[dreg:$0x2] =	wrdreg s6  }
0xb0: {  	[dreg:$0x3] =	wrdreg s8  }
0xb1: {  	[dreg:$0x4] =	wrdreg $0xC0  }
0xb2: {  	_ =	task [dreg:s10], $0x5FFFF  }
0xb3: {  	[dreg:$0x1] =	wrdreg $0xFFFFFFFF  }
0xb4: {  	[dreg:$0x0] =	wrdreg $0x60  }
0xb5: {  	[dreg:$0x2] =	wrdreg s15  }
0xb6: {  	[dreg:$0x3] =	wrdreg s4  }
0xb7: {  	[dreg:$0x4] =	wrdreg s24  }
0xb8: {  	[dreg:$0x5] =	wrdreg s16  }
0xb9: {  	[dreg:$0x6] =	wrdreg s17  }
0xba: {  	[dreg:$0x7] =	wrdreg $0x9  }
0xbb: {  	_ =	task.clear_ibuf [dreg:s10], $0x8FFFF;
	_ =	strace $0x90000046  }
0xbc: {  	s29 =	simm.s32 $0x9;
	_ =	strace $0x80000048  }
0xbd: {  	_ =	swait.ge [sflag:s29], $0x1  }
0xbe: {  	[sflag:s29] =	ssyncadd.s32 $0xFFFFFFFF  }
0xbf: {  	_ =	strace $0x90000048  }
0xc0: {  	_ =	sfence  }
0xc1: {  	s30 =	sld [smem:$0x0];
	_ =	sdelay $0x2  }
0xc2: {  	s31 =	sshll.u32 s1, $0xD;
	s1 =	sshrl.u32 s1, $0x2  }
0xc3: {  	s3 =	sand.u32 $0x4000, s31;
	s1 =	sadd.s32 s1, s30  }
0xc4: {  	s0 =	sor.u32 s3, s0;
	s1 =	sshll.u32 s1, $0x11  }
0xc5: {  	s0 =	sor.u32 s1, s0  }
0xc6: {  	s0 =	sadd.s32 $0x8F2B, s0  }
0xc7: {  	[sflag:s0] =	ssyncadd.remote.s32 $0x1  }
0xc8: {  	_ =	sfence.sel $0xFFFF  }
0xc9: {  	[dreg:$0x0] =	wrdreg $0xFFFFFFFF;
	(pc) =	sbr.abs _section_cstart, $3  }
0xca: {  	[dreg:$0x1] =	wrdreg $0xFFFFFFFF  }
0xcb: {  	_ =	task.clear_ibuf [dreg:s10], $0x2FFFF;
	_ =	strace $0x9FFFFFFF  }
0xcc: {  	(tm) =	ssettm $0x7FFFFFFF  }
0xcd: {  	_ =	shalt  }
tec
execute0_lowered:
.L_overlay_start_1:
0x0: {  	(tag) =	ssettag $0x1  }
0x1: {  	s5 =	rddreg [dreg:$0x0]  }
0x2: {  	s6 =	rddreg [dreg:$0x1]  }
0x3: {  	s4 =	rddreg [dreg:$0x2]  }
0x4: {  	s7 =	rddreg [dreg:$0x3]  }
0x5: {  	s8 =	rddreg [dreg:$0x4]  }
0x6: {  	s0 =	rddreg [dreg:$0x5]  }
0x7: {  	s2 =	simm.s32 $0x0;
	s3 =	srdreg.scid;
	s1 =	stileid.u32  }
0x8: {  	s13 =	simm.s32 $0x8400;
	s14 =	simm.s32 $0x1;
	s15 =	simm.s32 $0x2  }
0x9: {  	s16 =	simm.s32 $0x3;
	s17 =	simm.s32 $0x4;
	s18 =	simm.s32 $0x0  }
0xa: {  	[smem:$0x7FF] =	sst s2;
	s3 =	sand.u32 $0x1, s3;
	s10 =	sshll.u32 s1, $0xA  }
0xb: {  	_ =	strace $0x80000047;
	s9 =	ssub.s32 $0x2, s3;
	s11 =	sshll.u32 s3, $0x9  }
0xc: {  	s3 =	sadd.s32 $0xF42C00, s4;
	s12 =	sshrl.u32 s9, $0x1;
	s10 =	sor.u32 s11, s10  }
0xd: {  	s4 =	sadd.s32 $0x16E3E00, s4;
	s9 =	ssub.s32 s9, s12;
	s11 =	sshrl.u32 s10, $0x3  }
0xe: {  	s10 =	sshll.u32 s10, $0x3;
	s12 =	simm.s32 $0x400;
	s5 =	sadd.s32 s5, s11  }
0xf: {  	v0 =	vlaneseq.u32;
	s6 =	sadd.s32 s6, s11;
	s7 =	sadd.s32 s7, s10;
	s8 =	sadd.s32 s8, s10  }
0x10: {  	v1 =	vimm.s32 $0x0;
	v0 =	vmul.u32 $0x40, v0;
	s9 =	smax.u32 s9, $0x1;
	s10 =	simm.s32 $0x5;
	s11 =	simm.s32 $0x200  }
.LBB2_1:
0x11: {  	[tilespmem:s2], [sflag:$0x5] =	stream.linear.gather [hbm4b:s5+s2], $0x200, $0x38;
	[tilespmem:$0x10400] =	vst v63  }
0x12: {  	_ =	swait.ge [sflag:s10], $0x200  }
0x13: {  	[sflag:s10] =	ssyncset.done $0x0  }
0x14: {  	[sflag:s10] =	ssyncadd.s32 $0xFFFFFE00  }
0x15: {  	[tilespmem:s11], [sflag:$0x5] =	stream.linear.gather [hbm4b:s6+s2], $0x200, $0x38;
	[tilespmem:$0x10400] =	vst v63  }
0x16: {  	_ =	swait.ge [sflag:s10], $0x200  }
0x17: {  	[sflag:s10] =	ssyncset.done $0x0  }
0x18: {  	[sflag:s10] =	ssyncadd.s32 $0xFFFFFE00  }
0x19: {  	[tilespmem:s12], [sflag:$0x1] =	stream.indirect.gather [hbm4b:s3+s11], $0x40, s2, s11, $0xb8;
	[tilespmem:$0x10400] =	vst v63  }
0x1a: {  	_ = 	snop  }
0x1b: {  	[tilespmem:s13], [sflag:$0x2] =	stream.indirect.gather [hbm4b:s4+s11], $0x40, s11, s11, $0xb8;
	[tilespmem:$0x10400] =	vst v63  }
0x1c: {  	_ =	swait.ge [sflag:s14], $0x8000  }
0x1d: {  	[sflag:s14] =	ssyncset.done $0x0  }
0x1e: {  	s19 =	simm.s32 $0x0;
	[sflag:s14] =	ssyncadd.s32 $0xFFFF8000  }
.LBB2_2:
0x1f: {  	s20 =	simm.s32 $0x1  }
0x20: {  	s21 =	sshll.u32 s19, $0x4;
	s24 =	simm.s32 $0x2;
	s26 =	simm.s32 $0x4;
	v2 =	vmov s20  }
0x21: {  	s28 =	simm.s32 $0x5;
	v3 =	vmov s21;
	v5 =	vmov s24;
	v7 =	vmov s26  }
0x22: {  	v9 =	vmov s28;
	v2 =	vand.u32 $0x3F, v2;
	v3 =	vshll.u32 v3, $0x6  }
0x23: {  	s25 =	simm.s32 $0x3;
	v6 =	vand.u32 $0x78, v5;
	v4 =	vbroadcast v2, $0x0;
	v2 =	vor.u32 v0, v3  }
0x24: {  	v5 =	vand.u32 $0x7, v5;
	v3 =	vmov s25;
	v6 =	vadd.s32 v2, v6  }
0x25: {  	v8 =	vand.u32 $0x78, v3;
	v3 =	vand.u32 $0x7, v3;
	v4 =	vor.u32 v2, v4  }
0x26: {  	v5 =	vor.u32 v5, v6;
	v6 =	vadd.s32 v2, v8;
	v8 =	vand.u32 $0x78, v7  }
0x27: {  	s22 =	simm.s32 $0x7;
	v7 =	vand.u32 $0x7, v7;
	v8 =	vadd.s32 v2, v8;
	v3 =	vor.u32 v3, v6  }
0x28: {  	v6 =	vor.u32 v7, v8;
	v7 =	vand.u32 $0x3F, v9;
	v9 =	vmov s22  }
0x29: {  	s30 =	simm.s32 $0x6;
	v10 =	vld.idx.msk [tilespmem:v2+s12+$0x0], $0xffff;
	v14 =	vand.u32 $0x7, v9  }
0x2a: {  	s29 =	simm.s32 $0x8;
	v9 =	vand.u32 $0x78, v9;
	v11 =	vld.idx.msk [tilespmem:v4+s12+$0x0], $0xffff;
	v4 =	vbroadcast v7, $0x0;
	v7 =	vmov s30  }
0x2b: {  	v8 =	vmov s29;
	v63 =	vadd.s32 v2, v9;
	v12 =	vld.idx.msk [tilespmem:v5+s12+$0x0], $0xffff;
	v5 =	vand.u32 $0x78, v7  }
0x2c: {  	v13 =	vand.u32 $0x7, v7;
	v9 =	vld.idx.msk [tilespmem:v3+s12+$0x0], $0xffff;
	v7 =	vor.u32 v2, v4;
	v4 =	vadd.s32 v2, v5  }
0x2d: {  	v6 =	vld.idx.msk [tilespmem:v6+s12+$0x0], $0xffff;
	v5 =	vor.u32 v13, v4;
	v4 =	vand.u32 $0x78, v8  }
0x2e: {  	v8 =	vand.u32 $0x7, v8;
	v15 =	vadd.s32 v2, v4;
	v4 =	vor.u32 v14, v63  }
0x2f: {  	s31 =	simm.s32 $0xC;
	s20 =	simm.s32 $0x9;
	v3 =	vor.u32 v8, v15;
	v11 =	vmax.f32 v10, v11  }
0x30: {  	s21 =	simm.s32 $0xD;
	s22 =	simm.s32 $0xB;
	v10 =	vmov s20;
	v8 =	vmov s31;
	v11 =	vmax.f32 v11, v12  }
.LBB2_3:
0x31: {  	p0 =	slt.u32 s21, $0x39;
	v10 =	vand.u32 $0x3F, v10;
	s23 =	sadd.s32 $0x1, s20;
	v12 =	vmov s22;
	v13 =	vld.idx.msk [tilespmem:v7+s12+$0x0], $0xffff;
	v7 =	vmax.f32 v11, v9;
	s20 =	smov.u32 s21  }
0x32: {  	v10 =	vbroadcast v10, $0x0;
	v9 =	vmov s23;
	v11 =	vld.idx.msk [tilespmem:v5+s12+$0x0], $0xffff;
	v14 =	vmax.f32 v7, v6  }
0x33: {  	v16 =	vand.u32 $0x7, v12;
	v5 =	vand.u32 $0x78, v9;
	v15 =	vand.u32 $0x7, v9;
	v9 =	vld.idx.msk [tilespmem:v4+s12+$0x0], $0xffff  }
.Ltmp0:
0x34: {  	v7 =	vor.u32 v2, v10;
	v4 =	vadd.s32 v2, v5;
	v10 =	vand.u32 $0x78, v12;
	v6 =	vld.idx.msk [tilespmem:v3+s12+$0x0], $0xffff;
	(pc) =	sbr.rel @p0 .LBB2_3-.Ltmp0, $4  }
0x35: {  	v5 =	vor.u32 v15, v4;
	v3 =	vadd.s32 v2, v10;
	v10 =	vand.u32 $0x78, v8  }
0x36: {  	v4 =	vor.u32 v16, v3;
	v3 =	vand.u32 $0x7, v8;
	v8 =	vadd.s32 v2, v10  }
0x37: {  	s23 =	sadd.s32 $0x3, s21;
	v12 =	vmax.f32 v14, v13;
	v3 =	vor.u32 v3, v8  }
0x38: {  	s22 =	sadd.s32 $0x2, s20;
	s21 =	sadd.s32 $0x4, s21;
	v10 =	vmov s20;
	v8 =	vmov s23;
	v11 =	vmax.f32 v12, v11  }
0x39: {  	_ =	sdelay $0x1  }
0x3a: {  	v10 =	vand.u32 $0x3F, v10;
	s20 =	sadd.s32 $0x1, s20;
	v12 =	vmov s22  }
0x3b: {  	v9 =	vmax.f32 v11, v9;
	v10 =	vbroadcast v10, $0x0;
	v11 =	vmov s20  }
0x3c: {  	v7 =	vld.idx.msk [tilespmem:v7+s12+$0x0], $0xffff;
	v14 =	vand.u32 $0x7, v12;
	v12 =	vand.u32 $0x78, v12;
	v13 =	vand.u32 $0x78, v11  }
0x3d: {  	v11 =	vand.u32 $0x7, v11;
	v10 =	vor.u32 v2, v10;
	v13 =	vadd.s32 v2, v13  }
0x3e: {  	v5 =	vld.idx.msk [tilespmem:v5+s12+$0x0], $0xffff;
	v12 =	vadd.s32 v2, v12;
	v11 =	vor.u32 v11, v13;
	v13 =	vand.u32 $0x78, v8  }
0x3f: {  	v12 =	vor.u32 v14, v12;
	v8 =	vand.u32 $0x7, v8;
	v13 =	vadd.s32 v2, v13  }
0x40: {  	s29 =	simm.s32 $0x0;
	v4 =	vld.idx.msk [tilespmem:v4+s12+$0x0], $0xffff;
	v6 =	vmax.f32 v9, v6;
	v8 =	vor.u32 v8, v13  }
0x41: {  	v3 =	vld.idx.msk [tilespmem:v3+s12+$0x0], $0xffff;
	v9 =	vmov s29;
	v6 =	vmax.f32 v6, v7;
	v7 =	vor.u32 $0x3D, v2  }
0x42: {  	v9 =	vand.u32 $0x3C, v9;
	v13 =	vor.u32 $0x3E, v2;
	v10 =	vld.idx.msk [tilespmem:v10+s12+$0x0], $0xffff  }
0x43: {  	s30 =	simm.s32 $0x1;
	s31 =	simm.s32 $0x2;
	v9 =	vbroadcast v9, $0x0;
	v5 =	vmax.f32 v6, v5;
	v6 =	vld.idx.msk [tilespmem:v11+s12+$0x0], $0xffff;
	v11 =	vor.u32 $0x3F, v2  }
0x44: {  	v15 =	vmov s31;
	v14 =	vmov s30;
	v12 =	vld.idx.msk [tilespmem:v12+s12+$0x0], $0xffff  }
0x45: {  	v14 =	vand.u32 $0x3D, v14;
	v9 =	vor.u32 v2, v9;
	v4 =	vmax.f32 v5, v4;
	v5 =	vld.idx.msk [tilespmem:v8+s12+$0x0], $0xffff  }
0x46: {  	v14 =	vbroadcast v14, $0x0;
	v3 =	vmax.f32 v4, v3;
	v4 =	vld.idx.msk [tilespmem:v7+s12+$0x0], $0xffff;
	v8 =	vand.u32 $0x3E, v15  }
0x47: {  	s21 =	simm.s32 $0x3;
	v7 =	vbroadcast v8, $0x0;
	v3 =	vmax.f32 v3, v10;
	v10 =	vld.idx.msk [tilespmem:v13+s12+$0x0], $0xffff  }
0x48: {  	v8 =	vor.u32 v2, v14;
	v13 =	vmov s21;
	v3 =	vmax.f32 v3, v6;
	v6 =	vld.idx.msk [tilespmem:v11+s12+$0x0], $0xffff  }
0x49: {  	v11 =	vand.u32 $0x3F, v13;
	v3 =	vmax.f32 v3, v12  }
0x4a: {  	v9 =	vld.idx.msk [tilespmem:v9+s12+$0x0], $0xffff;
	v7 =	vor.u32 v2, v7;
	v11 =	vbroadcast v11, $0x0;
	v3 =	vmax.f32 v3, v5  }
0x4b: {  	s22 =	simm.s32 $0x4;
	v3 =	vmax.f32 v3, v4  }
0x4c: {  	s23 =	simm.s32 $0x5;
	v4 =	vmov s22;
	v5 =	vor.u32 v2, v11;
	v3 =	vmax.f32 v3, v10  }
0x4d: {  	v8 =	vld.idx.msk [tilespmem:v8+s12+$0x0], $0xffff;
	v4 =	vand.u32 $0x3C, v4;
	v3 =	vmax.f32 v3, v6;
	v6 =	vmov s23  }
0x4e: {  	s21 =	simm.s32 $0x6;
	v4 =	vbroadcast v4, $0x0;
	v6 =	vand.u32 $0x3D, v6  }
0x4f: {  	v10 =	vmov s21;
	v7 =	vld.idx.msk [tilespmem:v7+s12+$0x0], $0xffff;
	v9 =	vsub.f32 v9, v3;
	v6 =	vbroadcast v6, $0x0  }
0x50: {  	v10 =	vand.u32 $0x3E, v10;
	v4 =	vor.u32 v2, v4  }
0x51: {  	v10 =	vbroadcast v10, $0x0;
	v5 =	vld.idx.msk [tilespmem:v5+s12+$0x0], $0xffff;
	v9 =	vmul.f32 $1.442695020e+00, v9;
	v6 =	vor.u32 v2, v6  }
0x52: {  	s24 =	simm.s32 $0x7;
	v8 =	vsub.f32 v8, v3  }
0x53: {  	v11 =	vmov s24;
	(erf) = vpow2.f32 v9;
	v9 =	vor.u32 v2, v10  }
0x54: {  	s26 =	simm.s32 $0xA;
	v11 =	vand.u32 $0x3F, v11;
	v8 =	vmul.f32 $1.442695020e+00, v8;
	v7 =	vsub.f32 v7, v3  }
0x55: {  	v12 =	vmov s26;
	v10 =	vbroadcast v11, $0x0;
	v4 =	vld.idx.msk [tilespmem:v4+s12+$0x0], $0xffff  }
0x56: {  	s28 =	simm.s32 $0xB;
	v7 =	vmul.f32 $1.442695020e+00, v7;
	(erf) = vpow2.f32 v8;
	v5 =	vsub.f32 v5, v3;
	v6 =	vld.idx.msk [tilespmem:v6+s12+$0x0], $0xffff  }
0x57: {  	s25 =	simm.s32 $0x8;
	v13 =	vmov s28;
	v12 =	vand.u32 $0x3E, v12;
	v10 =	vor.u32 v2, v10  }
0x58: {  	s29 =	simm.s32 $0x9;
	v8 =	vmov s25;
	(erf) = vpow2.f32 v7;
	v5 =	vmul.f32 $1.442695020e+00, v5;
	v9 =	vld.idx.msk [tilespmem:v9+s12+$0x0], $0xffff  }
0x59: {  	v11 =	vimm.f32 $0.0e+00;
	v7 =	vand.u32 $0x3C, v8;
	v8 =	vmov s29  }
0x5a: {  	v7 =	vbroadcast v7, $0x0;
	v8 =	vand.u32 $0x3D, v8;
	(erf) = vpow2.f32 v5  }
0x5b: {  	v5 =	vbroadcast v8, $0x0;
	v4 =	vsub.f32 v4, v3;
	v6 =	vsub.f32 v6, v3  }
0x5c: {  	v7 =	vor.u32 v2, v7;
	v8 =	vld.idx.msk [tilespmem:v10+s12+$0x0], $0xffff;
	v10 =	vbroadcast v12, $0x0;
	v12 =	vand.u32 $0x3F, v13  }
0x5d: {  	v14 =	vor.u32 v2, v5;
	v5 =	vmul.f32 $1.442695020e+00, v4;
	v13 =	vpop (erf);
	v9 =	vsub.f32 v9, v3  }
0x5e: {  	v4 =	vor.u32 v2, v10;
	v10 =	vbroadcast v12, $0x0;
	v12 =	vadd.f32 v13, v11  }
0x5f: {  	s20 =	simm.s32 $0xC;
	v15 =	vmul.f32 $1.442695020e+00, v6;
	(erf) = vpow2.f32 v5;
	v6 =	vpop (erf)  }
0x60: {  	v11 =	vmov s20;
	v5 =	vor.u32 v2, v10;
	v16 =	vadd.f32 v6, v12  }
0x61: {  	s31 =	simm.s32 $0xF;
	s30 =	simm.s32 $0xE;
	v13 =	vsub.f32 v8, v3;
	(erf) = vpow2.f32 v15;
	v6 =	vld.idx.msk [tilespmem:v7+s12+$0x0], $0xffff;
	v12 =	vmul.f32 $1.442695020e+00, v9;
	v9 =	vpop (erf)  }
0x62: {  	s21 =	simm.s32 $0x10;
	v10 =	vmov s30;
	v8 =	vmov s31;
	v7 =	vld.idx.msk [tilespmem:v14+s12+$0x0], $0xffff;
	v9 =	vadd.f32 v9, v16  }
.LBB2_5:
0x63: {  	p0 =	slt.u32 s21, $0x3C;
	v11 =	vand.u32 $0x3C, v11;
	s22 =	sadd.s32 $0x1, s20;
	v13 =	vmul.f32 $1.442695020e+00, v13;
	(erf) = vpow2.f32 v12;
	v12 =	vpop (erf);
	s20 =	smov.u32 s21  }
0x64: {  	v11 =	vbroadcast v11, $0x0;
	v14 =	vmov s22;
	v15 =	vld.idx.msk [tilespmem:v4+s12+$0x0], $0xffff;
	v9 =	vadd.f32 v12, v9  }
0x65: {  	v10 =	vand.u32 $0x3E, v10;
	v4 =	vand.u32 $0x3D, v14;
	(erf) = vpow2.f32 v13  }
0x66: {  	v6 =	vsub.f32 v6, v3;
	v12 =	vor.u32 v2, v11;
	v4 =	vbroadcast v4, $0x0;
	v13 =	vld.idx.msk [tilespmem:v5+s12+$0x0], $0xffff  }
0x67: {  	v8 =	vand.u32 $0x3F, v8;
	v5 =	vbroadcast v10, $0x0  }
0x68: {  	v6 =	vmul.f32 $1.442695020e+00, v6;
	v7 =	vsub.f32 v7, v3;
	v14 =	vor.u32 v2, v4;
	v10 =	vpop (erf)  }
.Ltmp1:
0x69: {  	v4 =	vor.u32 v2, v5;
	v5 =	vbroadcast v8, $0x0;
	v8 =	vadd.f32 v10, v9;
	(pc) =	sbr.rel @p0 .LBB2_5-.Ltmp1, $4  }
0x6a: {  	v7 =	vmul.f32 $1.442695020e+00, v7;
	v16 =	vsub.f32 v15, v3;
	(erf) = vpow2.f32 v6;
	v10 =	vpop (erf)  }
0x6b: {  	v11 =	vmov s21;
	v5 =	vor.u32 v2, v5;
	v6 =	vld.idx.msk [tilespmem:v12+s12+$0x0], $0xffff;
	v15 =	vadd.f32 v10, v8  }
0x6c: {  	s23 =	sadd.s32 $0x3, s21;
	s22 =	sadd.s32 $0x2, s21;
	v12 =	vmul.f32 $1.442695020e+00, v16;
	v13 =	vsub.f32 v13, v3;
	(erf) = vpow2.f32 v7;
	v9 =	vpop (erf)  }
0x6d: {  	s21 =	sadd.s32 $0x4, s21;
	v10 =	vmov s22;
	v8 =	vmov s23;
	v7 =	vld.idx.msk [tilespmem:v14+s12+$0x0], $0xffff;
	v9 =	vadd.f32 v9, v15  }
0x6e: {  	s20 =	sadd.s32 $0x1, s20  }
0x6f: {  	v11 =	vand.u32 $0x3C, v11;
	v14 =	vmov s20  }
0x70: {  	v11 =	vbroadcast v11, $0x0;
	v14 =	vand.u32 $0x3D, v14  }
0x71: {  	v14 =	vbroadcast v14, $0x0  }
0x72: {  	(erf) = vpow2.f32 v12;
	v11 =	vor.u32 v2, v11  }
0x73: {  	v4 =	vld.idx.msk [tilespmem:v4+s12+$0x0], $0xffff;
	v10 =	vand.u32 $0x3E, v10;
	v6 =	vsub.f32 v6, v3;
	v56 =	vor.u32 v2, v14  }
0x74: {  	v13 =	vmul.f32 $1.442695020e+00, v13;
	v5 =	vld.idx.msk [tilespmem:v5+s12+$0x0], $0xffff;
	v8 =	vand.u32 $0x3F, v8;
	v10 =	vbroadcast v10, $0x0  }
0x75: {  	v8 =	vbroadcast v8, $0x0;
	v6 =	vmul.f32 $1.442695020e+00, v6  }
0x76: {  	v57 =	vpop (erf);
	(erf) = vpow2.f32 v13;
	v10 =	vor.u32 v2, v10;
	v7 =	vsub.f32 v7, v3  }
0x77: {  	v9 =	vadd.f32 v57, v9;
	(erf) = vpow2.f32 v6;
	v6 =	vld.idx.msk [tilespmem:v11+s12+$0x0], $0xffff  }
0x78: {  	v8 =	vor.u32 v2, v8;
	v58 =	vpop (erf);
	v4 =	vsub.f32 v4, v3;
	v7 =	vmul.f32 $1.442695020e+00, v7;
	v59 =	vld.idx.msk [tilespmem:v56+s12+$0x0], $0xffff  }
0x79: {  	v5 =	vsub.f32 v5, v3;
	v9 =	vadd.f32 v58, v9  }
0x7a: {  	v60 =	vpop (erf);
	v4 =	vmul.f32 $1.442695020e+00, v4;
	(erf) = vpow2.f32 v7  }
0x7b: {  	v5 =	vmul.f32 $1.442695020e+00, v5;
	v7 =	vadd.f32 v60, v9;
	v61 =	vld.idx.msk [tilespmem:v10+s12+$0x0], $0xffff  }
0x7c: {  	v62 =	vpop (erf);
	(erf) = vpow2.f32 v4;
	v4 =	vsub.f32 v6, v3  }
0x7d: {  	(erf) = vpow2.f32 v5;
	v6 =	vadd.f32 v62, v7;
	v7 =	vld.idx.msk [tilespmem:v8+s12+$0x0], $0xffff;
	v5 =	vsub.f32 v59, v3;
	_ =	sdelay $0x1  }
0x7e: {  	v8 =	vpop (erf);
	v4 =	vmul.f32 $1.442695020e+00, v4;
	v5 =	vmul.f32 $1.442695020e+00, v5  }
0x7f: {  	v9 =	vsub.f32 v61, v3;
	v6 =	vadd.f32 v8, v6  }
0x80: {  	v8 =	vpop (erf);
	(erf) = vpow2.f32 v4  }
0x81: {  	v4 =	vadd.f32 v8, v6;
	v6 =	vmul.f32 $1.442695020e+00, v9;
	v7 =	vsub.f32 v7, v3  }
0x82: {  	(erf) = vpow2.f32 v5;
	v5 =	vpop (erf)  }
0x83: {  	v4 =	vadd.f32 v5, v4;
	v5 =	vmul.f32 $1.442695020e+00, v7  }
0x84: {  	(erf) = vpow2.f32 v6  }
0x85: {  	v6 =	vpop (erf)  }
0x86: {  	v4 =	vadd.f32 v6, v4;
	(erf) = vpow2.f32 v5  }
0x87: {  	v5 =	vpop (erf)  }
0x88: {  	v4 =	vadd.f32 v5, v4  }
0x89: {  	v5 =	vpop (erf)  }
0x8a: {  	v4 =	vadd.f32 v5, v4  }
0x8b: {  	v5 =	vpop (erf)  }
0x8c: {  	v4 =	vadd.f32 v5, v4  }
0x8d: {  	v5 =	vpop (erf)  }
0x8e: {  	v4 =	vadd.f32 v5, v4  }
0x8f: {  	v5 =	vpop (erf)  }
0x90: {  	v4 =	vadd.f32 v5, v4;
	_ =	sdelay $0x1  }
0x91: {  	v5 =	vand.u32 $0x7FFFFF, v4  }
0x92: {  	v5 =	vor.u32 $0x3F800000, v5  }
0x93: {  	v6 =	vmul.f32 $5.000000000e-01, v5  }
0x94: {  	vm0 =	vgt.f32 v5, $1.414213540e+00  }
0x95: {  	v5 =	vsel vm0, v6, v5  }
0x96: {  	v6 =	vadd.f32 $1.000000000e+00, v5;
	_ =	sdelay $0x1  }
0x97: {  	(erf) = vrcp.f32 v6;
	_ =	sdelay $0x7  }
0x98: {  	v5 =	vadd.f32 $-1.000000000e+00, v5  }
0x99: {  	v6 =	vpop (erf)  }
0x9a: {  	v5 =	vmul.f32 v6, v5;
	_ =	sdelay $0x1  }
0x9b: {  	v6 =	vmul.f32 v5, v5;
	_ =	sdelay $0x1  }
0x9c: {  	v7 =	vmul.f32 $1.428571490e-01, v6;
	_ =	sdelay $0x1  }
0x9d: {  	v7 =	vadd.f32 $2.000000030e-01, v7  }
0x9e: {  	s28 =	simm.s32 $0x0  }
0x9f: {  	v8 =	vmov s28;
	v7 =	vmul.f32 v7, v6  }
0xa0: {  	v8 =	vand.u32 $0x3C, v8  }
0xa1: {  	v8 =	vbroadcast v8, $0x0;
	v7 =	vadd.f32 $3.333333430e-01, v7  }
0xa2: {  	v4 =	vshra.s32 v4, $0x17;
	v63 =	vsel vm0, $0x1, v1  }
0xa3: {  	v4 =	vadd.s32 v63, v4;
	v6 =	vmul.f32 v7, v6;
	v7 =	vor.u32 v2, v8  }
0xa4: {  	v4 =	vadd.s32 $0xFFFFFF81, v4  }
0xa5: {  	v4 =	vcvt.s32.f32 v4;
	v5 =	vadd.f32 v5, v5;
	v6 =	vadd.f32 $1.000000000e+00, v6  }
0xa6: {  	s29 =	simm.s32 $0x1  }
0xa7: {  	v4 =	vmul.f32 $6.931471820e-01, v4;
	v5 =	vmul.f32 v6, v5;
	v6 =	vmov s29  }
0xa8: {  	v8 =	vld.idx.msk [tilespmem:v7+s12+$0x0], $0xffff;
	v6 =	vand.u32 $0x3D, v6  }
0xa9: {  	v4 =	vadd.f32 v5, v4;
	v5 =	vbroadcast v6, $0x0;
	_ =	sdelay $0x1  }
0xaa: {  	v3 =	vadd.f32 v4, v3;
	v4 =	vor.u32 v2, v5;
	_ =	sdelay $0x1  }
0xab: {  	v5 =	vsub.f32 v8, v3  }
0xac: {  	s30 =	simm.s32 $0x2  }
0xad: {  	[tilespmem:v7+s12+$0x0] =	vst.idx.msk $0xffff, v5;
	v5 =	vmov s30  }
0xae: {  	v6 =	vld.idx.msk [tilespmem:v4+s12+$0x0], $0xffff;
	v5 =	vand.u32 $0x3E, v5  }
0xaf: {  	v5 =	vbroadcast v5, $0x0;
	_ =	sdelay $0x1  }
0xb0: {  	v7 =	vor.u32 v2, v5;
	_ =	sdelay $0x1  }
0xb1: {  	v5 =	vsub.f32 v6, v3  }
0xb2: {  	s31 =	simm.s32 $0x3  }
0xb3: {  	[tilespmem:v4+s12+$0x0] =	vst.idx.msk $0xffff, v5;
	v4 =	vmov s31  }
0xb4: {  	v6 =	vld.idx.msk [tilespmem:v7+s12+$0x0], $0xffff;
	v4 =	vand.u32 $0x3F, v4  }
0xb5: {  	v4 =	vbroadcast v4, $0x0;
	_ =	sdelay $0x1  }
0xb6: {  	v5 =	vor.u32 v2, v4;
	_ =	sdelay $0x1  }
0xb7: {  	v4 =	vsub.f32 v6, v3  }
0xb8: {  	s20 =	simm.s32 $0x4  }
0xb9: {  	[tilespmem:v7+s12+$0x0] =	vst.idx.msk $0xffff, v4;
	v4 =	vmov s20  }
0xba: {  	v6 =	vld.idx.msk [tilespmem:v5+s12+$0x0], $0xffff;
	v4 =	vand.u32 $0x3C, v4  }
0xbb: {  	v4 =	vbroadcast v4, $0x0;
	_ =	sdelay $0x1  }
0xbc: {  	v4 =	vor.u32 v2, v4;
	_ =	sdelay $0x1  }
0xbd: {  	s21 =	simm.s32 $0x8;
	v6 =	vsub.f32 v6, v3  }
.LBB2_7:
0xbe: {  	p0 =	slt.u32 s21, $0x3C  }
0xbf: {  	s22 =	sadd.s32 $0x1, s20;
	s23 =	smov.u32 s21;
	s21 =	sadd.s32 $0x4, s21;
	[tilespmem:v5+s12+$0x0] =	vst.idx.msk $0xffff, v6  }
0xc0: {  	v6 =	vmov s22;
	v5 =	vld.idx.msk [tilespmem:v4+s12+$0x0], $0xffff  }
0xc1: {  	v6 =	vand.u32 $0x3D, v6  }
0xc2: {  	v6 =	vbroadcast v6, $0x0;
	_ =	sdelay $0x1  }
0xc3: {  	v6 =	vor.u32 v2, v6;
	_ =	sdelay $0x1  }
0xc4: {  	v5 =	vsub.f32 v5, v3;
	_ =	sdelay $0x1  }
0xc5: {  	s22 =	sadd.s32 $0x2, s20;
	[tilespmem:v4+s12+$0x0] =	vst.idx.msk $0xffff, v5  }
0xc6: {  	v5 =	vmov s22;
	v4 =	vld.idx.msk [tilespmem:v6+s12+$0x0], $0xffff  }
0xc7: {  	v5 =	vand.u32 $0x3E, v5  }
0xc8: {  	v5 =	vbroadcast v5, $0x0;
	_ =	sdelay $0x1  }
0xc9: {  	v7 =	vor.u32 v2, v5;
	_ =	sdelay $0x1  }
0xca: {  	v4 =	vsub.f32 v4, v3;
	_ =	sdelay $0x1  }
0xcb: {  	s22 =	sadd.s32 $0x3, s20;
	s20 =	smov.u32 s23;
	[tilespmem:v6+s12+$0x0] =	vst.idx.msk $0xffff, v4  }
0xcc: {  	v5 =	vmov s22;
	v4 =	vld.idx.msk [tilespmem:v7+s12+$0x0], $0xffff  }
0xcd: {  	v5 =	vand.u32 $0x3F, v5  }
0xce: {  	v5 =	vbroadcast v5, $0x0;
	_ =	sdelay $0x1  }
0xcf: {  	v5 =	vor.u32 v2, v5;
	_ =	sdelay $0x1  }
0xd0: {  	v4 =	vsub.f32 v4, v3;
	_ =	sdelay $0x1  }
0xd1: {  	[tilespmem:v7+s12+$0x0] =	vst.idx.msk $0xffff, v4  }
0xd2: {  	v4 =	vmov s20;
	v6 =	vld.idx.msk [tilespmem:v5+s12+$0x0], $0xffff  }
0xd3: {  	v4 =	vand.u32 $0x3C, v4  }
.Ltmp2:
0xd4: {  	v4 =	vbroadcast v4, $0x0;
	(pc) =	sbr.rel @p0 .LBB2_7-.Ltmp2, $3  }
0xd5: {  	_ = 	snop  }
0xd6: {  	v4 =	vor.u32 v2, v4;
	_ =	sdelay $0x1  }
0xd7: {  	v6 =	vsub.f32 v6, v3  }
0xd8: {  	_ =	sdelay $0x2  }
0xd9: {  	s21 =	sadd.s32 $0x1, s20  }
0xda: {  	[tilespmem:v5+s12+$0x0] =	vst.idx.msk $0xffff, v6;
	v60 =	vmov s21  }
0xdb: {  	v6 =	vld.idx.msk [tilespmem:v4+s12+$0x0], $0xffff;
	v5 =	vand.u32 $0x3D, v60  }
0xdc: {  	v5 =	vbroadcast v5, $0x0;
	_ =	sdelay $0x1  }
0xdd: {  	v5 =	vor.u32 v2, v5;
	_ =	sdelay $0x1  }
0xde: {  	v6 =	vsub.f32 v6, v3  }
0xdf: {  	s30 =	sadd.s32 $0x2, s20  }
0xe0: {  	v61 =	vmov s30;
	[tilespmem:v4+s12+$0x0] =	vst.idx.msk $0xffff, v6  }
0xe1: {  	v4 =	vand.u32 $0x3E, v61;
	v6 =	vld.idx.msk [tilespmem:v5+s12+$0x0], $0xffff  }
0xe2: {  	v4 =	vbroadcast v4, $0x0;
	_ =	sdelay $0x1  }
0xe3: {  	v4 =	vor.u32 v2, v4;
	_ =	sdelay $0x1  }
0xe4: {  	v6 =	vsub.f32 v6, v3  }
0xe5: {  	s31 =	sadd.s32 $0x3, s20  }
0xe6: {  	v62 =	vmov s31;
	[tilespmem:v5+s12+$0x0] =	vst.idx.msk $0xffff, v6  }
0xe7: {  	v5 =	vand.u32 $0x3F, v62;
	v6 =	vld.idx.msk [tilespmem:v4+s12+$0x0], $0xffff  }
0xe8: {  	v5 =	vbroadcast v5, $0x0;
	_ =	sdelay $0x1  }
0xe9: {  	v2 =	vor.u32 v2, v5;
	_ =	sdelay $0x1  }
0xea: {  	v63 =	vsub.f32 v6, v3;
	_ =	sdelay $0x1  }
0xeb: {  	[tilespmem:v4+s12+$0x0] =	vst.idx.msk $0xffff, v63  }
0xec: {  	v4 =	vld.idx.msk [tilespmem:v2+s12+$0x0], $0xffff  }
0xed: {  	s19 =	sadd.s32 $0x1, s19  }
0xee: {  	p0 =	sne.s32 s19, $0x20  }
.Ltmp3:
0xef: {  	_ = 	snop;
	(pc) =	sbr.rel @p0 .LBB2_2-.Ltmp3, $3  }
0xf0: {  	_ = 	snop  }
0xf1: {  	v3 =	vsub.f32 v4, v3;
	_ =	sdelay $0x1  }
0xf2: {  	[tilespmem:v2+s12+$0x0] =	vst.idx.msk $0xffff, v3  }
0xf3: {  	s19 =	simm.s32 $0x0  }
0xf4: {  	[hbm4b:s7+s19] =	stream.linear.scatter [tilespmem:s12], [sflag:$0x3], $0x8000, $0x38;
	[tilespmem:$0x10400] =	vst v63  }
0xf5: {  	_ =	swait.ge [sflag:s15], $0x8000  }
0xf6: {  	[sflag:s15] =	ssyncset.done $0x0  }
0xf7: {  	[sflag:s15] =	ssyncadd.s32 $0xFFFF8000  }
.LBB2_10:
0xf8: {  	s20 =	simm.s32 $0x1  }
0xf9: {  	s21 =	sshll.u32 s19, $0x4;
	s24 =	simm.s32 $0x2;
	s26 =	simm.s32 $0x4;
	v2 =	vmov s20  }
0xfa: {  	s28 =	simm.s32 $0x5;
	v3 =	vmov s21;
	v5 =	vmov s24;
	v7 =	vmov s26  }
0xfb: {  	v9 =	vmov s28;
	v2 =	vand.u32 $0x3F, v2;
	v3 =	vshll.u32 v3, $0x6  }
0xfc: {  	s25 =	simm.s32 $0x3;
	v6 =	vand.u32 $0x78, v5;
	v4 =	vbroadcast v2, $0x0;
	v2 =	vor.u32 v0, v3  }
0xfd: {  	v5 =	vand.u32 $0x7, v5;
	v3 =	vmov s25;
	v6 =	vadd.s32 v2, v6  }
0xfe: {  	v8 =	vand.u32 $0x78, v3;
	v3 =	vand.u32 $0x7, v3;
	v4 =	vor.u32 v2, v4  }
0xff: {  	v5 =	vor.u32 v5, v6;
	v6 =	vadd.s32 v2, v8;
	v8 =	vand.u32 $0x78, v7  }
0x100: {  	s22 =	simm.s32 $0x7;
	v7 =	vand.u32 $0x7, v7;
	v8 =	vadd.s32 v2, v8;
	v3 =	vor.u32 v3, v6  }
0x101: {  	v6 =	vor.u32 v7, v8;
	v7 =	vand.u32 $0x3F, v9;
	v9 =	vmov s22  }
0x102: {  	s30 =	simm.s32 $0x6;
	v10 =	vld.idx.msk [tilespmem:v2+s13+$0x0], $0xffff;
	v14 =	vand.u32 $0x7, v9  }
0x103: {  	s29 =	simm.s32 $0x8;
	v9 =	vand.u32 $0x78, v9;
	v11 =	vld.idx.msk [tilespmem:v4+s13+$0x0], $0xffff;
	v4 =	vbroadcast v7, $0x0;
	v7 =	vmov s30  }
0x104: {  	v8 =	vmov s29;
	v63 =	vadd.s32 v2, v9;
	v12 =	vld.idx.msk [tilespmem:v5+s13+$0x0], $0xffff;
	v5 =	vand.u32 $0x78, v7  }
0x105: {  	v13 =	vand.u32 $0x7, v7;
	v9 =	vld.idx.msk [tilespmem:v3+s13+$0x0], $0xffff;
	v7 =	vor.u32 v2, v4;
	v4 =	vadd.s32 v2, v5  }
0x106: {  	v6 =	vld.idx.msk [tilespmem:v6+s13+$0x0], $0xffff;
	v5 =	vor.u32 v13, v4;
	v4 =	vand.u32 $0x78, v8  }
0x107: {  	v8 =	vand.u32 $0x7, v8;
	v15 =	vadd.s32 v2, v4;
	v4 =	vor.u32 v14, v63  }
0x108: {  	s31 =	simm.s32 $0xC;
	s20 =	simm.s32 $0x9;
	v3 =	vor.u32 v8, v15;
	v11 =	vmax.f32 v10, v11  }
0x109: {  	s21 =	simm.s32 $0xD;
	s22 =	simm.s32 $0xB;
	v10 =	vmov s20;
	v8 =	vmov s31;
	v11 =	vmax.f32 v11, v12  }
.LBB2_11:
0x10a: {  	p0 =	slt.u32 s21, $0x39;
	v10 =	vand.u32 $0x3F, v10;
	s23 =	sadd.s32 $0x1, s20;
	v12 =	vmov s22;
	v13 =	vld.idx.msk [tilespmem:v7+s13+$0x0], $0xffff;
	v7 =	vmax.f32 v11, v9;
	s20 =	smov.u32 s21  }
0x10b: {  	v10 =	vbroadcast v10, $0x0;
	v9 =	vmov s23;
	v11 =	vld.idx.msk [tilespmem:v5+s13+$0x0], $0xffff;
	v14 =	vmax.f32 v7, v6  }
0x10c: {  	v16 =	vand.u32 $0x7, v12;
	v5 =	vand.u32 $0x78, v9;
	v15 =	vand.u32 $0x7, v9;
	v9 =	vld.idx.msk [tilespmem:v4+s13+$0x0], $0xffff  }
.Ltmp4:
0x10d: {  	v7 =	vor.u32 v2, v10;
	v4 =	vadd.s32 v2, v5;
	v10 =	vand.u32 $0x78, v12;
	v6 =	vld.idx.msk [tilespmem:v3+s13+$0x0], $0xffff;
	(pc) =	sbr.rel @p0 .LBB2_11-.Ltmp4, $4  }
0x10e: {  	v5 =	vor.u32 v15, v4;
	v3 =	vadd.s32 v2, v10;
	v10 =	vand.u32 $0x78, v8  }
0x10f: {  	v4 =	vor.u32 v16, v3;
	v3 =	vand.u32 $0x7, v8;
	v8 =	vadd.s32 v2, v10  }
0x110: {  	s23 =	sadd.s32 $0x3, s21;
	v12 =	vmax.f32 v14, v13;
	v3 =	vor.u32 v3, v8  }
0x111: {  	s22 =	sadd.s32 $0x2, s20;
	s21 =	sadd.s32 $0x4, s21;
	v10 =	vmov s20;
	v8 =	vmov s23;
	v11 =	vmax.f32 v12, v11  }
0x112: {  	_ =	sdelay $0x1  }
0x113: {  	v10 =	vand.u32 $0x3F, v10;
	s20 =	sadd.s32 $0x1, s20;
	v12 =	vmov s22  }
0x114: {  	v9 =	vmax.f32 v11, v9;
	v10 =	vbroadcast v10, $0x0;
	v11 =	vmov s20  }
0x115: {  	v7 =	vld.idx.msk [tilespmem:v7+s13+$0x0], $0xffff;
	v14 =	vand.u32 $0x7, v12;
	v12 =	vand.u32 $0x78, v12;
	v13 =	vand.u32 $0x78, v11  }
0x116: {  	v11 =	vand.u32 $0x7, v11;
	v10 =	vor.u32 v2, v10;
	v13 =	vadd.s32 v2, v13  }
0x117: {  	v5 =	vld.idx.msk [tilespmem:v5+s13+$0x0], $0xffff;
	v12 =	vadd.s32 v2, v12;
	v11 =	vor.u32 v11, v13;
	v13 =	vand.u32 $0x78, v8  }
0x118: {  	v12 =	vor.u32 v14, v12;
	v8 =	vand.u32 $0x7, v8;
	v13 =	vadd.s32 v2, v13  }
0x119: {  	s29 =	simm.s32 $0x0;
	v4 =	vld.idx.msk [tilespmem:v4+s13+$0x0], $0xffff;
	v6 =	vmax.f32 v9, v6;
	v8 =	vor.u32 v8, v13  }
0x11a: {  	v3 =	vld.idx.msk [tilespmem:v3+s13+$0x0], $0xffff;
	v9 =	vmov s29;
	v6 =	vmax.f32 v6, v7;
	v7 =	vor.u32 $0x3D, v2  }
0x11b: {  	v9 =	vand.u32 $0x3C, v9;
	v13 =	vor.u32 $0x3E, v2;
	v10 =	vld.idx.msk [tilespmem:v10+s13+$0x0], $0xffff  }
0x11c: {  	s30 =	simm.s32 $0x1;
	s31 =	simm.s32 $0x2;
	v9 =	vbroadcast v9, $0x0;
	v5 =	vmax.f32 v6, v5;
	v6 =	vld.idx.msk [tilespmem:v11+s13+$0x0], $0xffff;
	v11 =	vor.u32 $0x3F, v2  }
0x11d: {  	v15 =	vmov s31;
	v14 =	vmov s30;
	v12 =	vld.idx.msk [tilespmem:v12+s13+$0x0], $0xffff  }
0x11e: {  	v14 =	vand.u32 $0x3D, v14;
	v9 =	vor.u32 v2, v9;
	v4 =	vmax.f32 v5, v4;
	v5 =	vld.idx.msk [tilespmem:v8+s13+$0x0], $0xffff  }
0x11f: {  	v14 =	vbroadcast v14, $0x0;
	v3 =	vmax.f32 v4, v3;
	v4 =	vld.idx.msk [tilespmem:v7+s13+$0x0], $0xffff;
	v8 =	vand.u32 $0x3E, v15  }
0x120: {  	s21 =	simm.s32 $0x3;
	v7 =	vbroadcast v8, $0x0;
	v3 =	vmax.f32 v3, v10;
	v10 =	vld.idx.msk [tilespmem:v13+s13+$0x0], $0xffff  }
0x121: {  	v8 =	vor.u32 v2, v14;
	v13 =	vmov s21;
	v3 =	vmax.f32 v3, v6;
	v6 =	vld.idx.msk [tilespmem:v11+s13+$0x0], $0xffff  }
0x122: {  	v11 =	vand.u32 $0x3F, v13;
	v3 =	vmax.f32 v3, v12  }
0x123: {  	v9 =	vld.idx.msk [tilespmem:v9+s13+$0x0], $0xffff;
	v7 =	vor.u32 v2, v7;
	v11 =	vbroadcast v11, $0x0;
	v3 =	vmax.f32 v3, v5  }
0x124: {  	s22 =	simm.s32 $0x4;
	v3 =	vmax.f32 v3, v4  }
0x125: {  	s23 =	simm.s32 $0x5;
	v4 =	vmov s22;
	v5 =	vor.u32 v2, v11;
	v3 =	vmax.f32 v3, v10  }
0x126: {  	v8 =	vld.idx.msk [tilespmem:v8+s13+$0x0], $0xffff;
	v4 =	vand.u32 $0x3C, v4;
	v3 =	vmax.f32 v3, v6;
	v6 =	vmov s23  }
0x127: {  	s21 =	simm.s32 $0x6;
	v4 =	vbroadcast v4, $0x0;
	v6 =	vand.u32 $0x3D, v6  }
0x128: {  	v10 =	vmov s21;
	v7 =	vld.idx.msk [tilespmem:v7+s13+$0x0], $0xffff;
	v9 =	vsub.f32 v9, v3;
	v6 =	vbroadcast v6, $0x0  }
0x129: {  	v10 =	vand.u32 $0x3E, v10;
	v4 =	vor.u32 v2, v4  }
0x12a: {  	v10 =	vbroadcast v10, $0x0;
	v5 =	vld.idx.msk [tilespmem:v5+s13+$0x0], $0xffff;
	v9 =	vmul.f32 $1.442695020e+00, v9;
	v6 =	vor.u32 v2, v6  }
0x12b: {  	s24 =	simm.s32 $0x7;
	v8 =	vsub.f32 v8, v3  }
0x12c: {  	v11 =	vmov s24;
	(erf) = vpow2.f32 v9;
	v9 =	vor.u32 v2, v10  }
0x12d: {  	s26 =	simm.s32 $0xA;
	v11 =	vand.u32 $0x3F, v11;
	v8 =	vmul.f32 $1.442695020e+00, v8;
	v7 =	vsub.f32 v7, v3  }
0x12e: {  	v12 =	vmov s26;
	v10 =	vbroadcast v11, $0x0;
	v4 =	vld.idx.msk [tilespmem:v4+s13+$0x0], $0xffff  }
0x12f: {  	s28 =	simm.s32 $0xB;
	v7 =	vmul.f32 $1.442695020e+00, v7;
	(erf) = vpow2.f32 v8;
	v5 =	vsub.f32 v5, v3;
	v6 =	vld.idx.msk [tilespmem:v6+s13+$0x0], $0xffff  }
0x130: {  	s25 =	simm.s32 $0x8;
	v13 =	vmov s28;
	v12 =	vand.u32 $0x3E, v12;
	v10 =	vor.u32 v2, v10  }
0x131: {  	s29 =	simm.s32 $0x9;
	v8 =	vmov s25;
	(erf) = vpow2.f32 v7;
	v5 =	vmul.f32 $1.442695020e+00, v5;
	v9 =	vld.idx.msk [tilespmem:v9+s13+$0x0], $0xffff  }
0x132: {  	v11 =	vimm.f32 $0.0e+00;
	v7 =	vand.u32 $0x3C, v8;
	v8 =	vmov s29  }
0x133: {  	v7 =	vbroadcast v7, $0x0;
	v8 =	vand.u32 $0x3D, v8;
	(erf) = vpow2.f32 v5  }
0x134: {  	v5 =	vbroadcast v8, $0x0;
	v4 =	vsub.f32 v4, v3;
	v6 =	vsub.f32 v6, v3  }
0x135: {  	v7 =	vor.u32 v2, v7;
	v8 =	vld.idx.msk [tilespmem:v10+s13+$0x0], $0xffff;
	v10 =	vbroadcast v12, $0x0;
	v12 =	vand.u32 $0x3F, v13  }
0x136: {  	v14 =	vor.u32 v2, v5;
	v5 =	vmul.f32 $1.442695020e+00, v4;
	v13 =	vpop (erf);
	v9 =	vsub.f32 v9, v3  }
0x137: {  	v4 =	vor.u32 v2, v10;
	v10 =	vbroadcast v12, $0x0;
	v12 =	vadd.f32 v13, v11  }
0x138: {  	s20 =	simm.s32 $0xC;
	v15 =	vmul.f32 $1.442695020e+00, v6;
	(erf) = vpow2.f32 v5;
	v6 =	vpop (erf)  }
0x139: {  	v11 =	vmov s20;
	v5 =	vor.u32 v2, v10;
	v16 =	vadd.f32 v6, v12  }
0x13a: {  	s31 =	simm.s32 $0xF;
	s30 =	simm.s32 $0xE;
	v13 =	vsub.f32 v8, v3;
	(erf) = vpow2.f32 v15;
	v6 =	vld.idx.msk [tilespmem:v7+s13+$0x0], $0xffff;
	v12 =	vmul.f32 $1.442695020e+00, v9;
	v9 =	vpop (erf)  }
0x13b: {  	s21 =	simm.s32 $0x10;
	v10 =	vmov s30;
	v8 =	vmov s31;
	v7 =	vld.idx.msk [tilespmem:v14+s13+$0x0], $0xffff;
	v9 =	vadd.f32 v9, v16  }
.LBB2_13:
0x13c: {  	p0 =	slt.u32 s21, $0x3C;
	v11 =	vand.u32 $0x3C, v11;
	s22 =	sadd.s32 $0x1, s20;
	v13 =	vmul.f32 $1.442695020e+00, v13;
	(erf) = vpow2.f32 v12;
	v12 =	vpop (erf);
	s20 =	smov.u32 s21  }
0x13d: {  	v11 =	vbroadcast v11, $0x0;
	v14 =	vmov s22;
	v15 =	vld.idx.msk [tilespmem:v4+s13+$0x0], $0xffff;
	v9 =	vadd.f32 v12, v9  }
0x13e: {  	v10 =	vand.u32 $0x3E, v10;
	v4 =	vand.u32 $0x3D, v14;
	(erf) = vpow2.f32 v13  }
0x13f: {  	v6 =	vsub.f32 v6, v3;
	v12 =	vor.u32 v2, v11;
	v4 =	vbroadcast v4, $0x0;
	v13 =	vld.idx.msk [tilespmem:v5+s13+$0x0], $0xffff  }
0x140: {  	v8 =	vand.u32 $0x3F, v8;
	v5 =	vbroadcast v10, $0x0  }
0x141: {  	v6 =	vmul.f32 $1.442695020e+00, v6;
	v7 =	vsub.f32 v7, v3;
	v14 =	vor.u32 v2, v4;
	v10 =	vpop (erf)  }
.Ltmp5:
0x142: {  	v4 =	vor.u32 v2, v5;
	v5 =	vbroadcast v8, $0x0;
	v8 =	vadd.f32 v10, v9;
	(pc) =	sbr.rel @p0 .LBB2_13-.Ltmp5, $4  }
0x143: {  	v7 =	vmul.f32 $1.442695020e+00, v7;
	v16 =	vsub.f32 v15, v3;
	(erf) = vpow2.f32 v6;
	v10 =	vpop (erf)  }
0x144: {  	v11 =	vmov s21;
	v5 =	vor.u32 v2, v5;
	v6 =	vld.idx.msk [tilespmem:v12+s13+$0x0], $0xffff;
	v15 =	vadd.f32 v10, v8  }
0x145: {  	s23 =	sadd.s32 $0x3, s21;
	s22 =	sadd.s32 $0x2, s21;
	v12 =	vmul.f32 $1.442695020e+00, v16;
	v13 =	vsub.f32 v13, v3;
	(erf) = vpow2.f32 v7;
	v9 =	vpop (erf)  }
0x146: {  	s21 =	sadd.s32 $0x4, s21;
	v10 =	vmov s22;
	v8 =	vmov s23;
	v7 =	vld.idx.msk [tilespmem:v14+s13+$0x0], $0xffff;
	v9 =	vadd.f32 v9, v15  }
0x147: {  	s20 =	sadd.s32 $0x1, s20  }
0x148: {  	v11 =	vand.u32 $0x3C, v11;
	v14 =	vmov s20  }
0x149: {  	v11 =	vbroadcast v11, $0x0;
	v14 =	vand.u32 $0x3D, v14  }
0x14a: {  	v14 =	vbroadcast v14, $0x0  }
0x14b: {  	(erf) = vpow2.f32 v12;
	v11 =	vor.u32 v2, v11  }
0x14c: {  	v4 =	vld.idx.msk [tilespmem:v4+s13+$0x0], $0xffff;
	v10 =	vand.u32 $0x3E, v10;
	v6 =	vsub.f32 v6, v3;
	v56 =	vor.u32 v2, v14  }
0x14d: {  	v13 =	vmul.f32 $1.442695020e+00, v13;
	v5 =	vld.idx.msk [tilespmem:v5+s13+$0x0], $0xffff;
	v8 =	vand.u32 $0x3F, v8;
	v10 =	vbroadcast v10, $0x0  }
0x14e: {  	v8 =	vbroadcast v8, $0x0;
	v6 =	vmul.f32 $1.442695020e+00, v6  }
0x14f: {  	v57 =	vpop (erf);
	(erf) = vpow2.f32 v13;
	v10 =	vor.u32 v2, v10;
	v7 =	vsub.f32 v7, v3  }
0x150: {  	v9 =	vadd.f32 v57, v9;
	(erf) = vpow2.f32 v6;
	v6 =	vld.idx.msk [tilespmem:v11+s13+$0x0], $0xffff  }
0x151: {  	v8 =	vor.u32 v2, v8;
	v58 =	vpop (erf);
	v4 =	vsub.f32 v4, v3;
	v7 =	vmul.f32 $1.442695020e+00, v7;
	v59 =	vld.idx.msk [tilespmem:v56+s13+$0x0], $0xffff  }
0x152: {  	v5 =	vsub.f32 v5, v3;
	v9 =	vadd.f32 v58, v9  }
0x153: {  	v60 =	vpop (erf);
	v4 =	vmul.f32 $1.442695020e+00, v4;
	(erf) = vpow2.f32 v7  }
0x154: {  	v5 =	vmul.f32 $1.442695020e+00, v5;
	v7 =	vadd.f32 v60, v9;
	v61 =	vld.idx.msk [tilespmem:v10+s13+$0x0], $0xffff  }
0x155: {  	v62 =	vpop (erf);
	(erf) = vpow2.f32 v4;
	v4 =	vsub.f32 v6, v3  }
0x156: {  	(erf) = vpow2.f32 v5;
	v6 =	vadd.f32 v62, v7;
	v7 =	vld.idx.msk [tilespmem:v8+s13+$0x0], $0xffff;
	v5 =	vsub.f32 v59, v3;
	_ =	sdelay $0x1  }
0x157: {  	v8 =	vpop (erf);
	v4 =	vmul.f32 $1.442695020e+00, v4;
	v5 =	vmul.f32 $1.442695020e+00, v5  }
0x158: {  	v9 =	vsub.f32 v61, v3;
	v6 =	vadd.f32 v8, v6  }
0x159: {  	v8 =	vpop (erf);
	(erf) = vpow2.f32 v4  }
0x15a: {  	v4 =	vadd.f32 v8, v6;
	v6 =	vmul.f32 $1.442695020e+00, v9;
	v7 =	vsub.f32 v7, v3  }
0x15b: {  	(erf) = vpow2.f32 v5;
	v5 =	vpop (erf)  }
0x15c: {  	v4 =	vadd.f32 v5, v4;
	v5 =	vmul.f32 $1.442695020e+00, v7  }
0x15d: {  	(erf) = vpow2.f32 v6  }
0x15e: {  	v6 =	vpop (erf)  }
0x15f: {  	v4 =	vadd.f32 v6, v4;
	(erf) = vpow2.f32 v5  }
0x160: {  	v5 =	vpop (erf)  }
0x161: {  	v4 =	vadd.f32 v5, v4  }
0x162: {  	v5 =	vpop (erf)  }
0x163: {  	v4 =	vadd.f32 v5, v4  }
0x164: {  	v5 =	vpop (erf)  }
0x165: {  	v4 =	vadd.f32 v5, v4  }
0x166: {  	v5 =	vpop (erf)  }
0x167: {  	v4 =	vadd.f32 v5, v4  }
0x168: {  	v5 =	vpop (erf)  }
0x169: {  	v4 =	vadd.f32 v5, v4;
	_ =	sdelay $0x1  }
0x16a: {  	v5 =	vand.u32 $0x7FFFFF, v4  }
0x16b: {  	v5 =	vor.u32 $0x3F800000, v5  }
0x16c: {  	v6 =	vmul.f32 $5.000000000e-01, v5  }
0x16d: {  	vm0 =	vgt.f32 v5, $1.414213540e+00  }
0x16e: {  	v5 =	vsel vm0, v6, v5  }
0x16f: {  	v6 =	vadd.f32 $1.000000000e+00, v5;
	_ =	sdelay $0x1  }
0x170: {  	(erf) = vrcp.f32 v6;
	_ =	sdelay $0x7  }
0x171: {  	v5 =	vadd.f32 $-1.000000000e+00, v5  }
0x172: {  	v6 =	vpop (erf)  }
0x173: {  	v5 =	vmul.f32 v6, v5;
	_ =	sdelay $0x1  }
0x174: {  	v6 =	vmul.f32 v5, v5;
	_ =	sdelay $0x1  }
0x175: {  	v7 =	vmul.f32 $1.428571490e-01, v6;
	_ =	sdelay $0x1  }
0x176: {  	v7 =	vadd.f32 $2.000000030e-01, v7  }
0x177: {  	s28 =	simm.s32 $0x0  }
0x178: {  	v8 =	vmov s28;
	v7 =	vmul.f32 v7, v6  }
0x179: {  	v8 =	vand.u32 $0x3C, v8  }
0x17a: {  	v8 =	vbroadcast v8, $0x0;
	v7 =	vadd.f32 $3.333333430e-01, v7  }
0x17b: {  	v4 =	vshra.s32 v4, $0x17;
	v63 =	vsel vm0, $0x1, v1  }
0x17c: {  	v4 =	vadd.s32 v63, v4;
	v6 =	vmul.f32 v7, v6;
	v7 =	vor.u32 v2, v8  }
0x17d: {  	v4 =	vadd.s32 $0xFFFFFF81, v4  }
0x17e: {  	v4 =	vcvt.s32.f32 v4;
	v5 =	vadd.f32 v5, v5;
	v6 =	vadd.f32 $1.000000000e+00, v6  }
0x17f: {  	s29 =	simm.s32 $0x1  }
0x180: {  	v4 =	vmul.f32 $6.931471820e-01, v4;
	v5 =	vmul.f32 v6, v5;
	v6 =	vmov s29  }
0x181: {  	v8 =	vld.idx.msk [tilespmem:v7+s13+$0x0], $0xffff;
	v6 =	vand.u32 $0x3D, v6  }
0x182: {  	v4 =	vadd.f32 v5, v4;
	v5 =	vbroadcast v6, $0x0;
	_ =	sdelay $0x1  }
0x183: {  	v3 =	vadd.f32 v4, v3;
	v4 =	vor.u32 v2, v5;
	_ =	sdelay $0x1  }
0x184: {  	v5 =	vsub.f32 v8, v3  }
0x185: {  	s30 =	simm.s32 $0x2  }
0x186: {  	[tilespmem:v7+s13+$0x0] =	vst.idx.msk $0xffff, v5;
	v5 =	vmov s30  }
0x187: {  	v6 =	vld.idx.msk [tilespmem:v4+s13+$0x0], $0xffff;
	v5 =	vand.u32 $0x3E, v5  }
0x188: {  	v5 =	vbroadcast v5, $0x0;
	_ =	sdelay $0x1  }
0x189: {  	v7 =	vor.u32 v2, v5;
	_ =	sdelay $0x1  }
0x18a: {  	v5 =	vsub.f32 v6, v3  }
0x18b: {  	s31 =	simm.s32 $0x3  }
0x18c: {  	[tilespmem:v4+s13+$0x0] =	vst.idx.msk $0xffff, v5;
	v4 =	vmov s31  }
0x18d: {  	v6 =	vld.idx.msk [tilespmem:v7+s13+$0x0], $0xffff;
	v4 =	vand.u32 $0x3F, v4  }
0x18e: {  	v4 =	vbroadcast v4, $0x0;
	_ =	sdelay $0x1  }
0x18f: {  	v5 =	vor.u32 v2, v4;
	_ =	sdelay $0x1  }
0x190: {  	v4 =	vsub.f32 v6, v3  }
0x191: {  	s20 =	simm.s32 $0x4  }
0x192: {  	[tilespmem:v7+s13+$0x0] =	vst.idx.msk $0xffff, v4;
	v4 =	vmov s20  }
0x193: {  	v6 =	vld.idx.msk [tilespmem:v5+s13+$0x0], $0xffff;
	v4 =	vand.u32 $0x3C, v4  }
0x194: {  	v4 =	vbroadcast v4, $0x0;
	_ =	sdelay $0x1  }
0x195: {  	v4 =	vor.u32 v2, v4;
	_ =	sdelay $0x1  }
0x196: {  	s21 =	simm.s32 $0x8;
	v6 =	vsub.f32 v6, v3  }
.LBB2_15:
0x197: {  	p0 =	slt.u32 s21, $0x3C  }
0x198: {  	s22 =	sadd.s32 $0x1, s20;
	s23 =	smov.u32 s21;
	s21 =	sadd.s32 $0x4, s21;
	[tilespmem:v5+s13+$0x0] =	vst.idx.msk $0xffff, v6  }
0x199: {  	v6 =	vmov s22;
	v5 =	vld.idx.msk [tilespmem:v4+s13+$0x0], $0xffff  }
0x19a: {  	v6 =	vand.u32 $0x3D, v6  }
0x19b: {  	v6 =	vbroadcast v6, $0x0;
	_ =	sdelay $0x1  }
0x19c: {  	v6 =	vor.u32 v2, v6;
	_ =	sdelay $0x1  }
0x19d: {  	v5 =	vsub.f32 v5, v3;
	_ =	sdelay $0x1  }
0x19e: {  	s22 =	sadd.s32 $0x2, s20;
	[tilespmem:v4+s13+$0x0] =	vst.idx.msk $0xffff, v5  }
0x19f: {  	v5 =	vmov s22;
	v4 =	vld.idx.msk [tilespmem:v6+s13+$0x0], $0xffff  }
0x1a0: {  	v5 =	vand.u32 $0x3E, v5  }
0x1a1: {  	v5 =	vbroadcast v5, $0x0;
	_ =	sdelay $0x1  }
0x1a2: {  	v7 =	vor.u32 v2, v5;
	_ =	sdelay $0x1  }
0x1a3: {  	v4 =	vsub.f32 v4, v3;
	_ =	sdelay $0x1  }
0x1a4: {  	s22 =	sadd.s32 $0x3, s20;
	s20 =	smov.u32 s23;
	[tilespmem:v6+s13+$0x0] =	vst.idx.msk $0xffff, v4  }
0x1a5: {  	v5 =	vmov s22;
	v4 =	vld.idx.msk [tilespmem:v7+s13+$0x0], $0xffff  }
0x1a6: {  	v5 =	vand.u32 $0x3F, v5  }
0x1a7: {  	v5 =	vbroadcast v5, $0x0;
	_ =	sdelay $0x1  }
0x1a8: {  	v5 =	vor.u32 v2, v5;
	_ =	sdelay $0x1  }
0x1a9: {  	v4 =	vsub.f32 v4, v3;
	_ =	sdelay $0x1  }
0x1aa: {  	[tilespmem:v7+s13+$0x0] =	vst.idx.msk $0xffff, v4  }
0x1ab: {  	v4 =	vmov s20;
	v6 =	vld.idx.msk [tilespmem:v5+s13+$0x0], $0xffff  }
0x1ac: {  	v4 =	vand.u32 $0x3C, v4  }
.Ltmp6:
0x1ad: {  	v4 =	vbroadcast v4, $0x0;
	(pc) =	sbr.rel @p0 .LBB2_15-.Ltmp6, $3  }
0x1ae: {  	_ = 	snop  }
0x1af: {  	v4 =	vor.u32 v2, v4;
	_ =	sdelay $0x1  }
0x1b0: {  	v6 =	vsub.f32 v6, v3  }
0x1b1: {  	_ =	sdelay $0x2  }
0x1b2: {  	s21 =	sadd.s32 $0x1, s20  }
0x1b3: {  	[tilespmem:v5+s13+$0x0] =	vst.idx.msk $0xffff, v6;
	v60 =	vmov s21  }
0x1b4: {  	v6 =	vld.idx.msk [tilespmem:v4+s13+$0x0], $0xffff;
	v5 =	vand.u32 $0x3D, v60  }
0x1b5: {  	v5 =	vbroadcast v5, $0x0;
	_ =	sdelay $0x1  }
0x1b6: {  	v5 =	vor.u32 v2, v5;
	_ =	sdelay $0x1  }
0x1b7: {  	v6 =	vsub.f32 v6, v3  }
0x1b8: {  	s30 =	sadd.s32 $0x2, s20  }
0x1b9: {  	v61 =	vmov s30;
	[tilespmem:v4+s13+$0x0] =	vst.idx.msk $0xffff, v6  }
0x1ba: {  	v4 =	vand.u32 $0x3E, v61;
	v6 =	vld.idx.msk [tilespmem:v5+s13+$0x0], $0xffff  }
0x1bb: {  	v4 =	vbroadcast v4, $0x0;
	_ =	sdelay $0x1  }
0x1bc: {  	v4 =	vor.u32 v2, v4;
	_ =	sdelay $0x1  }
0x1bd: {  	v6 =	vsub.f32 v6, v3  }
0x1be: {  	s31 =	sadd.s32 $0x3, s20  }
0x1bf: {  	v62 =	vmov s31;
	[tilespmem:v5+s13+$0x0] =	vst.idx.msk $0xffff, v6  }
0x1c0: {  	v5 =	vand.u32 $0x3F, v62;
	v6 =	vld.idx.msk [tilespmem:v4+s13+$0x0], $0xffff  }
0x1c1: {  	v5 =	vbroadcast v5, $0x0;
	_ =	sdelay $0x1  }
0x1c2: {  	v2 =	vor.u32 v2, v5;
	_ =	sdelay $0x1  }
0x1c3: {  	v63 =	vsub.f32 v6, v3;
	_ =	sdelay $0x1  }
0x1c4: {  	[tilespmem:v4+s13+$0x0] =	vst.idx.msk $0xffff, v63  }
0x1c5: {  	v4 =	vld.idx.msk [tilespmem:v2+s13+$0x0], $0xffff  }
0x1c6: {  	s19 =	sadd.s32 $0x1, s19  }
0x1c7: {  	p0 =	sne.s32 s19, $0x20  }
.Ltmp7:
0x1c8: {  	_ = 	snop;
	(pc) =	sbr.rel @p0 .LBB2_10-.Ltmp7, $3  }
0x1c9: {  	_ = 	snop  }
0x1ca: {  	v3 =	vsub.f32 v4, v3;
	_ =	sdelay $0x1  }
0x1cb: {  	[tilespmem:v2+s13+$0x0] =	vst.idx.msk $0xffff, v3  }
0x1cc: {  	[hbm4b:s8+s2] =	stream.linear.scatter [tilespmem:s13], [sflag:$0x4], $0x8000, $0x38;
	[tilespmem:$0x10400] =	vst v63  }
0x1cd: {  	s18 =	sadd.s32 $0x1, s18  }
0x1ce: {  	_ =	swait.ge [sflag:s16], $0x8000;
	p0 =	sne.s32 s18, s9  }
.Ltmp8:
0x1cf: {  	[sflag:s16] =	ssyncset.done $0x0;
	(pc) =	sbr.rel @p0 .LBB2_1-.Ltmp8, $4  }
0x1d0: {  	[sflag:s16] =	ssyncadd.s32 $0xFFFF8000  }
0x1d1: {  	_ =	swait.ge [sflag:s17], $0x8000  }
0x1d2: {  	[sflag:s17] =	ssyncset.done $0x0  }
0x1d3: {  	[sflag:s17] =	ssyncadd.s32 $0xFFFF8000  }
0x1d4: {  	_ =	sfence.sel $0x180000  }
0x1d5: {  	[bflag:$0x0] =	sbarrier.arrive $0xFFFF  }
0x1d6: {  	p0 =	sne.s32 s1, $0x0;
	_ =	strace $0x90000047  }
0x1d7: {  	s0 =	sadd.s32 @!p0 $0x100000, s0;
	[bflag:$0x2] =	sbarrier.arrive $0xFFFF  }
0x1d8: {  	[sflag:s0] =	ssyncadd.tile.s32 @!p0 $0x1;
	_ =	shalt  }
.Lfunc_end2:
_tile_overlayer_lowered:
.L_overlay_start_2:
0x1d9: {  	(tag) =	ssettag $0x2  }
0x1da: {  	s0 =	rddreg [dreg:$0x0];
	s2 =	stileid.u32  }
0x1db: {  	s1 =	rddreg [dreg:$0x1];
	p0 =	sne.s32 s2, $0x0  }
0x1dc: {  	s3 =	rddreg [dreg:$0x2];
	[bflag:$0x3] =	sbarrier.arrive $0xFFFF;
	s2 =	simm.s32 @!p0 $0x1C05  }
0x1dd: {  	[timem:s3], [sflag:s2] =	dma.local @!p0 [hbm:s0], s1  }
0x1de: {  	s0 =	simm.s32 @!p0 $0x5  }
0x1df: {  	_ =	swait.ge @!p0 [sflag:s0], s1  }
0x1e0: {  	s1 =	ssub.s32 @!p0 $0x0, s1;
	[sflag:s0] =	ssyncset.done @!p0 $0x0  }
0x1e1: {  	[sflag:s0] =	ssyncadd.s32 @!p0 s1  }
0x1e2: {  	[bflag:$0x3] =	sbarrier.arrive $0xFFFF  }
0x1e3: {  	_ =	shalt  }

</sc_bundles>
